<compile_context>
chip_gen: v7x
topology: tpu7x:2x2x1
jax: 0.10.2.dev20260603
libtpu: 0.0.44.dev20260713+nightly
codegen_flags: <defaults>
</compile_context>

<pallas_src>
import functools

import jax
import jax.numpy as jnp
from jax import lax
from jax.experimental import pallas as pl
from jax.experimental.pallas import tpu as pltpu
from jax.experimental.pallas import tpu_sc as plsc

_NUM_CORES = 2
_NUM_SUBCORES = 16
_NW = _NUM_CORES * _NUM_SUBCORES
_CHUNK_MAX = 56


def _chunk_schedule(span):
    sched = []
    off = 0
    while off < span:
        c = min(_CHUNK_MAX, span - off)
        sched.append((off, c))
        off += c
    return tuple(sched)


@functools.lru_cache(maxsize=None)
def _make_gather(b, s, v, d):
    span = (b * s) // _NW
    per_row = s // span
    sched = _chunk_schedule(span)
    n_chunks = len(sched)
    mesh = plsc.VectorSubcoreMesh(core_axis_name="c", subcore_axis_name="s")

    @functools.partial(
        pl.kernel,
        mesh=mesh,
        out_type=jax.ShapeDtypeStruct((b, s, d), jnp.float32),
        scratch_types=[
            pltpu.VMEM((span,), jnp.int32),
            pltpu.VMEM((_CHUNK_MAX, d), jnp.float32),
            pltpu.VMEM((_CHUNK_MAX, d), jnp.float32),
            pltpu.SemaphoreType.DMA,
            pltpu.SemaphoreType.DMA,
            pltpu.SemaphoreType.DMA,
            pltpu.SemaphoreType.DMA,
        ],
    )
    def gather_kernel(idx_hbm, table_hbm, out_hbm, idx_v, rows0, rows1,
                      g0, g1, o0, o1):
        rows = (rows0, rows1)
        gsem = (g0, g1)
        osem = (o0, o1)
        wid = lax.axis_index("s") * _NUM_CORES + lax.axis_index("c")
        row = wid // per_row
        col0 = (wid % per_row) * span
        pltpu.sync_copy(idx_hbm.at[row, pl.ds(col0, span)], idx_v)

        def gather_start(j, bnum):
            off, c = sched[j]
            return pltpu.async_copy(
                table_hbm.at[idx_v.at[pl.ds(off, c)]],
                rows[bnum].at[pl.ds(0, c)], gsem[bnum])

        def out_start(j, bnum):
            off, c = sched[j]
            return pltpu.async_copy(
                rows[bnum].at[pl.ds(0, c)],
                out_hbm.at[row, pl.ds(col0 + off, c)], osem[bnum])

        gathers = {}
        outs = {}
        for j in range(min(2, n_chunks)):
            gathers[j] = gather_start(j, j % 2)
        for j in range(n_chunks):
            bnum = j % 2
            gathers[j].wait()
            outs[j] = out_start(j, bnum)
            nj = j + 2
            if nj < n_chunks:
                outs[j].wait()
                gathers[nj] = gather_start(nj, bnum)
        for j in range(max(0, n_chunks - 2), n_chunks):
            outs[j].wait()

    return gather_kernel


def kernel(x, table):
    b, s = x.shape
    v, d = table.shape
    return _make_gather(b, s, v, d)(x.astype(jnp.int32), table)

# --- scband reference (transcript-rebuilt; emitter-appended) ---
"""Pipeline reference for scband-token-embedding-30709016166843 (READ-ONLY COPY).

The authoritative reference and input builder live on the scoring server;
editing this copy changes nothing except your own understanding.
"""

import jax, jax.numpy as jnp
import numpy as np

VOCAB = 50257
D_MODEL = 1024
BATCH = 4
SEQ = 2048

def setup_inputs(seed: int = 0) -> dict:
    key = jax.random.key(seed)
    k1, k2 = jax.random.split(key)
    x = jax.random.randint(k1, (BATCH, SEQ), 0, VOCAB, dtype=jnp.int64 if jax.config.jax_enable_x64 else jnp.int32)
    table = jax.random.normal(k2, (VOCAB, D_MODEL), dtype=jnp.float32) * 0.02
    return {"x": x, "table": table}

def reference(x, table):
    # nn.Embedding lookup: gather rows of the embedding table
    return jnp.take(table, x, axis=0)

if __name__ == "__main__":
    import jax
    _d = setup_inputs()
    print(jax.jit(kernel)(*tuple(_d.values())))

</pallas_src>

<mosaic_0001>
#map = affine_map<(d0, d1) -> (0, 0)>
#map1 = affine_map<(d0, d1) -> (0, 0, 0)>
module attributes {stable_mosaic.version = 14 : i64} {
  func.func @gather_kernel(%arg0: i32, %arg1: i32, %arg2: memref<4x2048xi32, #tpu.memory_space<hbm>>, %arg3: memref<50257x1024xf32, #tpu.memory_space<hbm>>, %arg4: memref<4x2048x1024xf32, #tpu.memory_space<hbm>>, %arg5: memref<256xi32, #tpu.memory_space<vmem>>, %arg6: memref<56x1024xf32, #tpu.memory_space<vmem>>, %arg7: memref<56x1024xf32, #tpu.memory_space<vmem>>, %arg8: memref<!tpu.dma_semaphore, #tpu.memory_space<semaphore_mem>>, %arg9: memref<!tpu.dma_semaphore, #tpu.memory_space<semaphore_mem>>, %arg10: memref<!tpu.dma_semaphore, #tpu.memory_space<semaphore_mem>>, %arg11: memref<!tpu.dma_semaphore, #tpu.memory_space<semaphore_mem>>) attributes {dimension_semantics = [#tpu.dimension_semantics<core_parallel>, #tpu.dimension_semantics<subcore_parallel>], iteration_bounds = array<i64: 2, 16>, scalar_prefetch = 0 : i64, scratch_operands = 7 : i64, tpu.core_type = #tpu.core_type<sc_vector_subcore>, window_params = [{transform_indices = #map}, {transform_indices = #map}, {transform_indices = #map1}]} {
    %mul3A = arith.constant 2 : i32
    %mul3A_0 = arith.muli %arg1, %mul3A : i32
    %add3A = arith.addi %mul3A_0, %arg0 : i32
    %jit3A = arith.constant 8 : i32
    %div3A = arith.divsi %add3A, %jit3A : i32
    %sign3A = arith.constant 0 : i32
    %sign3A_1 = arith.cmpi sgt, %add3A, %sign3A : i32
    %sign3A_2 = arith.extui %sign3A_1 : i1 to i32
    %sign3A_3 = arith.constant 0 : i32
    %sign3A_4 = arith.cmpi slt, %add3A, %sign3A_3 : i32
    %sign3A_5 = arith.extui %sign3A_4 : i1 to i32
    %sign3A_6 = arith.subi %sign3A_2, %sign3A_5 : i32
    %sign3A_7 = arith.constant 0 : i32
    %sign3A_8 = arith.cmpi sgt, %jit3A, %sign3A_7 : i32
    %sign3A_9 = arith.extui %sign3A_8 : i1 to i32
    %sign3A_10 = arith.constant 0 : i32
    %sign3A_11 = arith.cmpi slt, %jit3A, %sign3A_10 : i32
    %sign3A_12 = arith.extui %sign3A_11 : i1 to i32
    %sign3A_13 = arith.subi %sign3A_9, %sign3A_12 : i32
    %ne3A = arith.cmpi ne, %sign3A_6, %sign3A_13 : i32
    %rem3A = arith.remsi %add3A, %jit3A : i32
    %ne3A_14 = arith.constant 0 : i32
    %ne3A_15 = arith.cmpi ne, %rem3A, %ne3A_14 : i32
    %and3A = arith.andi %ne3A, %ne3A_15 : i1
    %sub3A = arith.constant 1 : i32
    %sub3A_16 = arith.subi %div3A, %sub3A : i32
    %select_n3A = arith.select %and3A, %sub3A_16, %div3A : i32
    %jit3A_17 = arith.constant 8 : i32
    %eq3A = arith.constant 0 : i32
    %eq3A_18 = arith.cmpi eq, %jit3A_17, %eq3A : i32
    %jit3A_19 = arith.constant 1 : i32
    %select_n3A_20 = arith.select %eq3A_18, %jit3A_19, %jit3A_17 : i32
    %rem3A_21 = arith.remsi %add3A, %select_n3A_20 : i32
    %ne3A_22 = arith.constant 0 : i32
    %ne3A_23 = arith.cmpi ne, %rem3A_21, %ne3A_22 : i32
    %lt3A = arith.constant 0 : i32
    %lt3A_24 = arith.cmpi slt, %rem3A_21, %lt3A : i32
    %lt3A_25 = arith.constant 0 : i32
    %lt3A_26 = arith.cmpi slt, %select_n3A_20, %lt3A_25 : i32
    %ne3A_27 = arith.xori %lt3A_24, %lt3A_26 : i1
    %and3A_28 = arith.andi %ne3A_27, %ne3A_23 : i1
    %add3A_29 = arith.addi %rem3A_21, %select_n3A_20 : i32
    %select_n3A_30 = arith.select %and3A_28, %add3A_29, %rem3A_21 : i32
    %mul3A_31 = arith.constant 256 : i32
    %mul3A_32 = arith.muli %select_n3A_30, %mul3A_31 : i32
    "tpu.region"() ({
      %run_scoped3A = tpu.sem_alloc : memref<!tpu.dma_semaphore, #tpu.memory_space<semaphore_mem>>
      %dma_start3A_241 = tpu.memref_slice %arg2[%select_n3A, %mul3A_32] : memref<4x2048xi32, #tpu.memory_space<hbm>> -> memref<1x256xi32, #tpu.memory_space<hbm>>
      %dma_start3A_242 = tpu.memref_squeeze %dma_start3A_241 : memref<1x256xi32, #tpu.memory_space<hbm>> -> memref<256xi32, #tpu.memory_space<hbm>>
      %dma_start3A_243 = tpu.memref_slice %arg2[%select_n3A, %mul3A_32] : memref<4x2048xi32, #tpu.memory_space<hbm>> -> memref<1x256xi32, #tpu.memory_space<hbm>>
      %dma_start3A_244 = tpu.memref_squeeze %dma_start3A_243 : memref<1x256xi32, #tpu.memory_space<hbm>> -> memref<256xi32, #tpu.memory_space<hbm>>
      tpu.enqueue_dma source(%dma_start3A_244 : memref<256xi32, #tpu.memory_space<hbm>>) target(%arg5 : memref<256xi32, #tpu.memory_space<vmem>>) target_semaphore(%run_scoped3A : memref<!tpu.dma_semaphore, #tpu.memory_space<semaphore_mem>>)
      %dma_wait3A_245 = tpu.memref_slice %arg2[%select_n3A, %mul3A_32] : memref<4x2048xi32, #tpu.memory_space<hbm>> -> memref<1x256xi32, #tpu.memory_space<hbm>>
      %dma_wait3A_246 = tpu.memref_squeeze %dma_wait3A_245 : memref<1x256xi32, #tpu.memory_space<hbm>> -> memref<256xi32, #tpu.memory_space<hbm>>
      %dma_wait3A_247 = tpu.memref_slice %arg2[%select_n3A, %mul3A_32] : memref<4x2048xi32, #tpu.memory_space<hbm>> -> memref<1x256xi32, #tpu.memory_space<hbm>>
      %dma_wait3A_248 = tpu.memref_squeeze %dma_wait3A_247 : memref<1x256xi32, #tpu.memory_space<hbm>> -> memref<256xi32, #tpu.memory_space<hbm>>
      tpu.wait_dma2 semaphore(%run_scoped3A : memref<!tpu.dma_semaphore, #tpu.memory_space<semaphore_mem>>) src(%dma_wait3A_248 : memref<256xi32, #tpu.memory_space<hbm>>) dst(%arg5 : memref<256xi32, #tpu.memory_space<vmem>>)
      tpu.yield
    }) : () -> ()
    %dma_start3A = arith.constant 0 : i32
    %dma_start3A_33 = arith.constant 0 : i32
    %dma_start3A_34 = tpu.memref_slice %arg6[%dma_start3A, %dma_start3A_33] : memref<56x1024xf32, #tpu.memory_space<vmem>> -> memref<56x1024xf32, #tpu.memory_space<vmem>>
    %dma_start3A_35 = arith.constant 0 : i32
    %dma_start3A_36 = tpu.memref_slice %arg5[%dma_start3A_35] : memref<256xi32, #tpu.memory_space<vmem>> -> memref<56xi32, #tpu.memory_space<vmem>>
    %dma_start3A_37 = arith.constant 0 : i32
    %dma_start3A_38 = arith.constant 0 : i32
    %dma_start3A_39 = tpu.memref_slice %arg3[%dma_start3A_37, %dma_start3A_38] : memref<50257x1024xf32, #tpu.memory_space<hbm>> -> memref<50257x1024xf32, #tpu.memory_space<hbm>>
    tpu.enqueue_indirect_dma source(%dma_start3A_39 : memref<50257x1024xf32, #tpu.memory_space<hbm>>) target(%dma_start3A_34 : memref<56x1024xf32, #tpu.memory_space<vmem>>) offsets(%dma_start3A_36 : memref<56xi32, #tpu.memory_space<vmem>>) semaphore(%arg8 : memref<!tpu.dma_semaphore, #tpu.memory_space<semaphore_mem>>)
    %dma_start3A_40 = arith.constant 0 : i32
    %dma_start3A_41 = arith.constant 0 : i32
    %dma_start3A_42 = tpu.memref_slice %arg7[%dma_start3A_40, %dma_start3A_41] : memref<56x1024xf32, #tpu.memory_space<vmem>> -> memref<56x1024xf32, #tpu.memory_space<vmem>>
    %dma_start3A_43 = arith.constant 56 : i32
    %dma_start3A_44 = tpu.memref_slice %arg5[%dma_start3A_43] : memref<256xi32, #tpu.memory_space<vmem>> -> memref<56xi32, #tpu.memory_space<vmem>>
    %dma_start3A_45 = arith.constant 0 : i32
    %dma_start3A_46 = arith.constant 0 : i32
    %dma_start3A_47 = tpu.memref_slice %arg3[%dma_start3A_45, %dma_start3A_46] : memref<50257x1024xf32, #tpu.memory_space<hbm>> -> memref<50257x1024xf32, #tpu.memory_space<hbm>>
    tpu.enqueue_indirect_dma source(%dma_start3A_47 : memref<50257x1024xf32, #tpu.memory_space<hbm>>) target(%dma_start3A_42 : memref<56x1024xf32, #tpu.memory_space<vmem>>) offsets(%dma_start3A_44 : memref<56xi32, #tpu.memory_space<vmem>>) semaphore(%arg9 : memref<!tpu.dma_semaphore, #tpu.memory_space<semaphore_mem>>)
    %dma_wait3A = arith.constant 0 : i32
    %dma_wait3A_48 = arith.constant 0 : i32
    %dma_wait3A_49 = tpu.memref_slice %arg6[%dma_wait3A, %dma_wait3A_48] : memref<56x1024xf32, #tpu.memory_space<vmem>> -> memref<56x1024xf32, #tpu.memory_space<vmem>>
    %dma_wait3A_50 = arith.constant 0 : i32
    %dma_wait3A_51 = tpu.memref_slice %arg5[%dma_wait3A_50] : memref<256xi32, #tpu.memory_space<vmem>> -> memref<56xi32, #tpu.memory_space<vmem>>
    %dma_wait3A_52 = arith.constant 0 : i32
    %dma_wait3A_53 = arith.constant 0 : i32
    %dma_wait3A_54 = tpu.memref_slice %arg3[%dma_wait3A_52, %dma_wait3A_53] : memref<50257x1024xf32, #tpu.memory_space<hbm>> -> memref<50257x1024xf32, #tpu.memory_space<hbm>>
    tpu.wait_indirect_dma semaphore(%arg8 : memref<!tpu.dma_semaphore, #tpu.memory_space<semaphore_mem>>) src(%dma_wait3A_54 : memref<50257x1024xf32, #tpu.memory_space<hbm>>) dst(%dma_wait3A_49 : memref<56x1024xf32, #tpu.memory_space<vmem>>)
    %add3A_55 = arith.constant 0 : i32
    %add3A_56 = arith.addi %mul3A_32, %add3A_55 : i32
    %dma_start3A_57 = arith.constant 0 : i32
    %dma_start3A_58 = arith.constant 0 : i32
    %dma_start3A_59 = tpu.memref_slice %arg6[%dma_start3A_57, %dma_start3A_58] : memref<56x1024xf32, #tpu.memory_space<vmem>> -> memref<56x1024xf32, #tpu.memory_space<vmem>>
    %dma_start3A_60 = arith.constant 0 : i32
    %dma_start3A_61 = tpu.memref_slice %arg4[%select_n3A, %add3A_56, %dma_start3A_60] : memref<4x2048x1024xf32, #tpu.memory_space<hbm>> -> memref<1x56x1024xf32, #tpu.memory_space<hbm>>
    %dma_start3A_62 = tpu.memref_squeeze %dma_start3A_61 : memref<1x56x1024xf32, #tpu.memory_space<hbm>> -> memref<56x1024xf32, #tpu.memory_space<hbm>>
    %dma_start3A_63 = arith.constant 0 : i32
    %dma_start3A_64 = tpu.memref_slice %arg4[%select_n3A, %add3A_56, %dma_start3A_63] : memref<4x2048x1024xf32, #tpu.memory_space<hbm>> -> memref<1x56x1024xf32, #tpu.memory_space<hbm>>
    %dma_start3A_65 = tpu.memref_squeeze %dma_start3A_64 : memref<1x56x1024xf32, #tpu.memory_space<hbm>> -> memref<56x1024xf32, #tpu.memory_space<hbm>>
    %dma_start3A_66 = arith.constant 0 : i32
    %dma_start3A_67 = arith.constant 0 : i32
    %dma_start3A_68 = tpu.memref_slice %arg6[%dma_start3A_66, %dma_start3A_67] : memref<56x1024xf32, #tpu.memory_space<vmem>> -> memref<56x1024xf32, #tpu.memory_space<vmem>>
    tpu.enqueue_dma source(%dma_start3A_68 : memref<56x1024xf32, #tpu.memory_space<vmem>>) target(%dma_start3A_65 : memref<56x1024xf32, #tpu.memory_space<hbm>>) target_semaphore(%arg10 : memref<!tpu.dma_semaphore, #tpu.memory_space<semaphore_mem>>)
    %dma_wait3A_69 = arith.constant 0 : i32
    %dma_wait3A_70 = arith.constant 0 : i32
    %dma_wait3A_71 = tpu.memref_slice %arg6[%dma_wait3A_69, %dma_wait3A_70] : memref<56x1024xf32, #tpu.memory_space<vmem>> -> memref<56x1024xf32, #tpu.memory_space<vmem>>
    %dma_wait3A_72 = arith.constant 0 : i32
    %dma_wait3A_73 = tpu.memref_slice %arg4[%select_n3A, %add3A_56, %dma_wait3A_72] : memref<4x2048x1024xf32, #tpu.memory_space<hbm>> -> memref<1x56x1024xf32, #tpu.memory_space<hbm>>
    %dma_wait3A_74 = tpu.memref_squeeze %dma_wait3A_73 : memref<1x56x1024xf32, #tpu.memory_space<hbm>> -> memref<56x1024xf32, #tpu.memory_space<hbm>>
    %dma_wait3A_75 = arith.constant 0 : i32
    %dma_wait3A_76 = tpu.memref_slice %arg4[%select_n3A, %add3A_56, %dma_wait3A_75] : memref<4x2048x1024xf32, #tpu.memory_space<hbm>> -> memref<1x56x1024xf32, #tpu.memory_space<hbm>>
    %dma_wait3A_77 = tpu.memref_squeeze %dma_wait3A_76 : memref<1x56x1024xf32, #tpu.memory_space<hbm>> -> memref<56x1024xf32, #tpu.memory_space<hbm>>
    %dma_wait3A_78 = arith.constant 0 : i32
    %dma_wait3A_79 = arith.constant 0 : i32
    %dma_wait3A_80 = tpu.memref_slice %arg6[%dma_wait3A_78, %dma_wait3A_79] : memref<56x1024xf32, #tpu.memory_space<vmem>> -> memref<56x1024xf32, #tpu.memory_space<vmem>>
    tpu.wait_dma2 semaphore(%arg10 : memref<!tpu.dma_semaphore, #tpu.memory_space<semaphore_mem>>) src(%dma_wait3A_80 : memref<56x1024xf32, #tpu.memory_space<vmem>>) dst(%dma_wait3A_77 : memref<56x1024xf32, #tpu.memory_space<hbm>>)
    %dma_start3A_81 = arith.constant 0 : i32
    %dma_start3A_82 = arith.constant 0 : i32
    %dma_start3A_83 = tpu.memref_slice %arg6[%dma_start3A_81, %dma_start3A_82] : memref<56x1024xf32, #tpu.memory_space<vmem>> -> memref<56x1024xf32, #tpu.memory_space<vmem>>
    %dma_start3A_84 = arith.constant 112 : i32
    %dma_start3A_85 = tpu.memref_slice %arg5[%dma_start3A_84] : memref<256xi32, #tpu.memory_space<vmem>> -> memref<56xi32, #tpu.memory_space<vmem>>
    %dma_start3A_86 = arith.constant 0 : i32
    %dma_start3A_87 = arith.constant 0 : i32
    %dma_start3A_88 = tpu.memref_slice %arg3[%dma_start3A_86, %dma_start3A_87] : memref<50257x1024xf32, #tpu.memory_space<hbm>> -> memref<50257x1024xf32, #tpu.memory_space<hbm>>
    tpu.enqueue_indirect_dma source(%dma_start3A_88 : memref<50257x1024xf32, #tpu.memory_space<hbm>>) target(%dma_start3A_83 : memref<56x1024xf32, #tpu.memory_space<vmem>>) offsets(%dma_start3A_85 : memref<56xi32, #tpu.memory_space<vmem>>) semaphore(%arg8 : memref<!tpu.dma_semaphore, #tpu.memory_space<semaphore_mem>>)
    %dma_wait3A_89 = arith.constant 0 : i32
    %dma_wait3A_90 = arith.constant 0 : i32
    %dma_wait3A_91 = tpu.memref_slice %arg7[%dma_wait3A_89, %dma_wait3A_90] : memref<56x1024xf32, #tpu.memory_space<vmem>> -> memref<56x1024xf32, #tpu.memory_space<vmem>>
    %dma_wait3A_92 = arith.constant 56 : i32
    %dma_wait3A_93 = tpu.memref_slice %arg5[%dma_wait3A_92] : memref<256xi32, #tpu.memory_space<vmem>> -> memref<56xi32, #tpu.memory_space<vmem>>
    %dma_wait3A_94 = arith.constant 0 : i32
    %dma_wait3A_95 = arith.constant 0 : i32
    %dma_wait3A_96 = tpu.memref_slice %arg3[%dma_wait3A_94, %dma_wait3A_95] : memref<50257x1024xf32, #tpu.memory_space<hbm>> -> memref<50257x1024xf32, #tpu.memory_space<hbm>>
    tpu.wait_indirect_dma semaphore(%arg9 : memref<!tpu.dma_semaphore, #tpu.memory_space<semaphore_mem>>) src(%dma_wait3A_96 : memref<50257x1024xf32, #tpu.memory_space<hbm>>) dst(%dma_wait3A_91 : memref<56x1024xf32, #tpu.memory_space<vmem>>)
    %add3A_97 = arith.constant 56 : i32
    %add3A_98 = arith.addi %mul3A_32, %add3A_97 : i32
    %dma_start3A_99 = arith.constant 0 : i32
    %dma_start3A_100 = arith.constant 0 : i32
    %dma_start3A_101 = tpu.memref_slice %arg7[%dma_start3A_99, %dma_start3A_100] : memref<56x1024xf32, #tpu.memory_space<vmem>> -> memref<56x1024xf32, #tpu.memory_space<vmem>>
    %dma_start3A_102 = arith.constant 0 : i32
    %dma_start3A_103 = tpu.memref_slice %arg4[%select_n3A, %add3A_98, %dma_start3A_102] : memref<4x2048x1024xf32, #tpu.memory_space<hbm>> -> memref<1x56x1024xf32, #tpu.memory_space<hbm>>
    %dma_start3A_104 = tpu.memref_squeeze %dma_start3A_103 : memref<1x56x1024xf32, #tpu.memory_space<hbm>> -> memref<56x1024xf32, #tpu.memory_space<hbm>>
    %dma_start3A_105 = arith.constant 0 : i32
    %dma_start3A_106 = tpu.memref_slice %arg4[%select_n3A, %add3A_98, %dma_start3A_105] : memref<4x2048x1024xf32, #tpu.memory_space<hbm>> -> memref<1x56x1024xf32, #tpu.memory_space<hbm>>
    %dma_start3A_107 = tpu.memref_squeeze %dma_start3A_106 : memref<1x56x1024xf32, #tpu.memory_space<hbm>> -> memref<56x1024xf32, #tpu.memory_space<hbm>>
    %dma_start3A_108 = arith.constant 0 : i32
    %dma_start3A_109 = arith.constant 0 : i32
    %dma_start3A_110 = tpu.memref_slice %arg7[%dma_start3A_108, %dma_start3A_109] : memref<56x1024xf32, #tpu.memory_space<vmem>> -> memref<56x1024xf32, #tpu.memory_space<vmem>>
    tpu.enqueue_dma source(%dma_start3A_110 : memref<56x1024xf32, #tpu.memory_space<vmem>>) target(%dma_start3A_107 : memref<56x1024xf32, #tpu.memory_space<hbm>>) target_semaphore(%arg11 : memref<!tpu.dma_semaphore, #tpu.memory_space<semaphore_mem>>)
    %dma_wait3A_111 = arith.constant 0 : i32
    %dma_wait3A_112 = arith.constant 0 : i32
    %dma_wait3A_113 = tpu.memref_slice %arg7[%dma_wait3A_111, %dma_wait3A_112] : memref<56x1024xf32, #tpu.memory_space<vmem>> -> memref<56x1024xf32, #tpu.memory_space<vmem>>
    %dma_wait3A_114 = arith.constant 0 : i32
    %dma_wait3A_115 = tpu.memref_slice %arg4[%select_n3A, %add3A_98, %dma_wait3A_114] : memref<4x2048x1024xf32, #tpu.memory_space<hbm>> -> memref<1x56x1024xf32, #tpu.memory_space<hbm>>
    %dma_wait3A_116 = tpu.memref_squeeze %dma_wait3A_115 : memref<1x56x1024xf32, #tpu.memory_space<hbm>> -> memref<56x1024xf32, #tpu.memory_space<hbm>>
    %dma_wait3A_117 = arith.constant 0 : i32
    %dma_wait3A_118 = tpu.memref_slice %arg4[%select_n3A, %add3A_98, %dma_wait3A_117] : memref<4x2048x1024xf32, #tpu.memory_space<hbm>> -> memref<1x56x1024xf32, #tpu.memory_space<hbm>>
    %dma_wait3A_119 = tpu.memref_squeeze %dma_wait3A_118 : memref<1x56x1024xf32, #tpu.memory_space<hbm>> -> memref<56x1024xf32, #tpu.memory_space<hbm>>
    %dma_wait3A_120 = arith.constant 0 : i32
    %dma_wait3A_121 = arith.constant 0 : i32
    %dma_wait3A_122 = tpu.memref_slice %arg7[%dma_wait3A_120, %dma_wait3A_121] : memref<56x1024xf32, #tpu.memory_space<vmem>> -> memref<56x1024xf32, #tpu.memory_space<vmem>>
    tpu.wait_dma2 semaphore(%arg11 : memref<!tpu.dma_semaphore, #tpu.memory_space<semaphore_mem>>) src(%dma_wait3A_122 : memref<56x1024xf32, #tpu.memory_space<vmem>>) dst(%dma_wait3A_119 : memref<56x1024xf32, #tpu.memory_space<hbm>>)
    %dma_start3A_123 = arith.constant 0 : i32
    %dma_start3A_124 = arith.constant 0 : i32
    %dma_start3A_125 = tpu.memref_slice %arg7[%dma_start3A_123, %dma_start3A_124] : memref<56x1024xf32, #tpu.memory_space<vmem>> -> memref<56x1024xf32, #tpu.memory_space<vmem>>
    %dma_start3A_126 = arith.constant 168 : i32
    %dma_start3A_127 = tpu.memref_slice %arg5[%dma_start3A_126] : memref<256xi32, #tpu.memory_space<vmem>> -> memref<56xi32, #tpu.memory_space<vmem>>
    %dma_start3A_128 = arith.constant 0 : i32
    %dma_start3A_129 = arith.constant 0 : i32
    %dma_start3A_130 = tpu.memref_slice %arg3[%dma_start3A_128, %dma_start3A_129] : memref<50257x1024xf32, #tpu.memory_space<hbm>> -> memref<50257x1024xf32, #tpu.memory_space<hbm>>
    tpu.enqueue_indirect_dma source(%dma_start3A_130 : memref<50257x1024xf32, #tpu.memory_space<hbm>>) target(%dma_start3A_125 : memref<56x1024xf32, #tpu.memory_space<vmem>>) offsets(%dma_start3A_127 : memref<56xi32, #tpu.memory_space<vmem>>) semaphore(%arg9 : memref<!tpu.dma_semaphore, #tpu.memory_space<semaphore_mem>>)
    %dma_wait3A_131 = arith.constant 0 : i32
    %dma_wait3A_132 = arith.constant 0 : i32
    %dma_wait3A_133 = tpu.memref_slice %arg6[%dma_wait3A_131, %dma_wait3A_132] : memref<56x1024xf32, #tpu.memory_space<vmem>> -> memref<56x1024xf32, #tpu.memory_space<vmem>>
    %dma_wait3A_134 = arith.constant 112 : i32
    %dma_wait3A_135 = tpu.memref_slice %arg5[%dma_wait3A_134] : memref<256xi32, #tpu.memory_space<vmem>> -> memref<56xi32, #tpu.memory_space<vmem>>
    %dma_wait3A_136 = arith.constant 0 : i32
    %dma_wait3A_137 = arith.constant 0 : i32
    %dma_wait3A_138 = tpu.memref_slice %arg3[%dma_wait3A_136, %dma_wait3A_137] : memref<50257x1024xf32, #tpu.memory_space<hbm>> -> memref<50257x1024xf32, #tpu.memory_space<hbm>>
    tpu.wait_indirect_dma semaphore(%arg8 : memref<!tpu.dma_semaphore, #tpu.memory_space<semaphore_mem>>) src(%dma_wait3A_138 : memref<50257x1024xf32, #tpu.memory_space<hbm>>) dst(%dma_wait3A_133 : memref<56x1024xf32, #tpu.memory_space<vmem>>)
    %add3A_139 = arith.constant 112 : i32
    %add3A_140 = arith.addi %mul3A_32, %add3A_139 : i32
    %dma_start3A_141 = arith.constant 0 : i32
    %dma_start3A_142 = arith.constant 0 : i32
    %dma_start3A_143 = tpu.memref_slice %arg6[%dma_start3A_141, %dma_start3A_142] : memref<56x1024xf32, #tpu.memory_space<vmem>> -> memref<56x1024xf32, #tpu.memory_space<vmem>>
    %dma_start3A_144 = arith.constant 0 : i32
    %dma_start3A_145 = tpu.memref_slice %arg4[%select_n3A, %add3A_140, %dma_start3A_144] : memref<4x2048x1024xf32, #tpu.memory_space<hbm>> -> memref<1x56x1024xf32, #tpu.memory_space<hbm>>
    %dma_start3A_146 = tpu.memref_squeeze %dma_start3A_145 : memref<1x56x1024xf32, #tpu.memory_space<hbm>> -> memref<56x1024xf32, #tpu.memory_space<hbm>>
    %dma_start3A_147 = arith.constant 0 : i32
    %dma_start3A_148 = tpu.memref_slice %arg4[%select_n3A, %add3A_140, %dma_start3A_147] : memref<4x2048x1024xf32, #tpu.memory_space<hbm>> -> memref<1x56x1024xf32, #tpu.memory_space<hbm>>
    %dma_start3A_149 = tpu.memref_squeeze %dma_start3A_148 : memref<1x56x1024xf32, #tpu.memory_space<hbm>> -> memref<56x1024xf32, #tpu.memory_space<hbm>>
    %dma_start3A_150 = arith.constant 0 : i32
    %dma_start3A_151 = arith.constant 0 : i32
    %dma_start3A_152 = tpu.memref_slice %arg6[%dma_start3A_150, %dma_start3A_151] : memref<56x1024xf32, #tpu.memory_space<vmem>> -> memref<56x1024xf32, #tpu.memory_space<vmem>>
    tpu.enqueue_dma source(%dma_start3A_152 : memref<56x1024xf32, #tpu.memory_space<vmem>>) target(%dma_start3A_149 : memref<56x1024xf32, #tpu.memory_space<hbm>>) target_semaphore(%arg10 : memref<!tpu.dma_semaphore, #tpu.memory_space<semaphore_mem>>)
    %dma_wait3A_153 = arith.constant 0 : i32
    %dma_wait3A_154 = arith.constant 0 : i32
    %dma_wait3A_155 = tpu.memref_slice %arg6[%dma_wait3A_153, %dma_wait3A_154] : memref<56x1024xf32, #tpu.memory_space<vmem>> -> memref<56x1024xf32, #tpu.memory_space<vmem>>
    %dma_wait3A_156 = arith.constant 0 : i32
    %dma_wait3A_157 = tpu.memref_slice %arg4[%select_n3A, %add3A_140, %dma_wait3A_156] : memref<4x2048x1024xf32, #tpu.memory_space<hbm>> -> memref<1x56x1024xf32, #tpu.memory_space<hbm>>
    %dma_wait3A_158 = tpu.memref_squeeze %dma_wait3A_157 : memref<1x56x1024xf32, #tpu.memory_space<hbm>> -> memref<56x1024xf32, #tpu.memory_space<hbm>>
    %dma_wait3A_159 = arith.constant 0 : i32
    %dma_wait3A_160 = tpu.memref_slice %arg4[%select_n3A, %add3A_140, %dma_wait3A_159] : memref<4x2048x1024xf32, #tpu.memory_space<hbm>> -> memref<1x56x1024xf32, #tpu.memory_space<hbm>>
    %dma_wait3A_161 = tpu.memref_squeeze %dma_wait3A_160 : memref<1x56x1024xf32, #tpu.memory_space<hbm>> -> memref<56x1024xf32, #tpu.memory_space<hbm>>
    %dma_wait3A_162 = arith.constant 0 : i32
    %dma_wait3A_163 = arith.constant 0 : i32
    %dma_wait3A_164 = tpu.memref_slice %arg6[%dma_wait3A_162, %dma_wait3A_163] : memref<56x1024xf32, #tpu.memory_space<vmem>> -> memref<56x1024xf32, #tpu.memory_space<vmem>>
    tpu.wait_dma2 semaphore(%arg10 : memref<!tpu.dma_semaphore, #tpu.memory_space<semaphore_mem>>) src(%dma_wait3A_164 : memref<56x1024xf32, #tpu.memory_space<vmem>>) dst(%dma_wait3A_161 : memref<56x1024xf32, #tpu.memory_space<hbm>>)
    %dma_start3A_165 = arith.constant 0 : i32
    %dma_start3A_166 = arith.constant 0 : i32
    %dma_start3A_167 = tpu.memref_slice %arg6[%dma_start3A_165, %dma_start3A_166] : memref<56x1024xf32, #tpu.memory_space<vmem>> -> memref<32x1024xf32, #tpu.memory_space<vmem>>
    %dma_start3A_168 = arith.constant 224 : i32
    %dma_start3A_169 = tpu.memref_slice %arg5[%dma_start3A_168] : memref<256xi32, #tpu.memory_space<vmem>> -> memref<32xi32, #tpu.memory_space<vmem>>
    %dma_start3A_170 = arith.constant 0 : i32
    %dma_start3A_171 = arith.constant 0 : i32
    %dma_start3A_172 = tpu.memref_slice %arg3[%dma_start3A_170, %dma_start3A_171] : memref<50257x1024xf32, #tpu.memory_space<hbm>> -> memref<50257x1024xf32, #tpu.memory_space<hbm>>
    tpu.enqueue_indirect_dma source(%dma_start3A_172 : memref<50257x1024xf32, #tpu.memory_space<hbm>>) target(%dma_start3A_167 : memref<32x1024xf32, #tpu.memory_space<vmem>>) offsets(%dma_start3A_169 : memref<32xi32, #tpu.memory_space<vmem>>) semaphore(%arg8 : memref<!tpu.dma_semaphore, #tpu.memory_space<semaphore_mem>>)
    %dma_wait3A_173 = arith.constant 0 : i32
    %dma_wait3A_174 = arith.constant 0 : i32
    %dma_wait3A_175 = tpu.memref_slice %arg7[%dma_wait3A_173, %dma_wait3A_174] : memref<56x1024xf32, #tpu.memory_space<vmem>> -> memref<56x1024xf32, #tpu.memory_space<vmem>>
    %dma_wait3A_176 = arith.constant 168 : i32
    %dma_wait3A_177 = tpu.memref_slice %arg5[%dma_wait3A_176] : memref<256xi32, #tpu.memory_space<vmem>> -> memref<56xi32, #tpu.memory_space<vmem>>
    %dma_wait3A_178 = arith.constant 0 : i32
    %dma_wait3A_179 = arith.constant 0 : i32
    %dma_wait3A_180 = tpu.memref_slice %arg3[%dma_wait3A_178, %dma_wait3A_179] : memref<50257x1024xf32, #tpu.memory_space<hbm>> -> memref<50257x1024xf32, #tpu.memory_space<hbm>>
    tpu.wait_indirect_dma semaphore(%arg9 : memref<!tpu.dma_semaphore, #tpu.memory_space<semaphore_mem>>) src(%dma_wait3A_180 : memref<50257x1024xf32, #tpu.memory_space<hbm>>) dst(%dma_wait3A_175 : memref<56x1024xf32, #tpu.memory_space<vmem>>)
    %add3A_181 = arith.constant 168 : i32
    %add3A_182 = arith.addi %mul3A_32, %add3A_181 : i32
    %dma_start3A_183 = arith.constant 0 : i32
    %dma_start3A_184 = arith.constant 0 : i32
    %dma_start3A_185 = tpu.memref_slice %arg7[%dma_start3A_183, %dma_start3A_184] : memref<56x1024xf32, #tpu.memory_space<vmem>> -> memref<56x1024xf32, #tpu.memory_space<vmem>>
    %dma_start3A_186 = arith.constant 0 : i32
    %dma_start3A_187 = tpu.memref_slice %arg4[%select_n3A, %add3A_182, %dma_start3A_186] : memref<4x2048x1024xf32, #tpu.memory_space<hbm>> -> memref<1x56x1024xf32, #tpu.memory_space<hbm>>
    %dma_start3A_188 = tpu.memref_squeeze %dma_start3A_187 : memref<1x56x1024xf32, #tpu.memory_space<hbm>> -> memref<56x1024xf32, #tpu.memory_space<hbm>>
    %dma_start3A_189 = arith.constant 0 : i32
    %dma_start3A_190 = tpu.memref_slice %arg4[%select_n3A, %add3A_182, %dma_start3A_189] : memref<4x2048x1024xf32, #tpu.memory_space<hbm>> -> memref<1x56x1024xf32, #tpu.memory_space<hbm>>
    %dma_start3A_191 = tpu.memref_squeeze %dma_start3A_190 : memref<1x56x1024xf32, #tpu.memory_space<hbm>> -> memref<56x1024xf32, #tpu.memory_space<hbm>>
    %dma_start3A_192 = arith.constant 0 : i32
    %dma_start3A_193 = arith.constant 0 : i32
    %dma_start3A_194 = tpu.memref_slice %arg7[%dma_start3A_192, %dma_start3A_193] : memref<56x1024xf32, #tpu.memory_space<vmem>> -> memref<56x1024xf32, #tpu.memory_space<vmem>>
    tpu.enqueue_dma source(%dma_start3A_194 : memref<56x1024xf32, #tpu.memory_space<vmem>>) target(%dma_start3A_191 : memref<56x1024xf32, #tpu.memory_space<hbm>>) target_semaphore(%arg11 : memref<!tpu.dma_semaphore, #tpu.memory_space<semaphore_mem>>)
    %dma_wait3A_195 = arith.constant 0 : i32
    %dma_wait3A_196 = arith.constant 0 : i32
    %dma_wait3A_197 = tpu.memref_slice %arg6[%dma_wait3A_195, %dma_wait3A_196] : memref<56x1024xf32, #tpu.memory_space<vmem>> -> memref<32x1024xf32, #tpu.memory_space<vmem>>
    %dma_wait3A_198 = arith.constant 224 : i32
    %dma_wait3A_199 = tpu.memref_slice %arg5[%dma_wait3A_198] : memref<256xi32, #tpu.memory_space<vmem>> -> memref<32xi32, #tpu.memory_space<vmem>>
    %dma_wait3A_200 = arith.constant 0 : i32
    %dma_wait3A_201 = arith.constant 0 : i32
    %dma_wait3A_202 = tpu.memref_slice %arg3[%dma_wait3A_200, %dma_wait3A_201] : memref<50257x1024xf32, #tpu.memory_space<hbm>> -> memref<50257x1024xf32, #tpu.memory_space<hbm>>
    tpu.wait_indirect_dma semaphore(%arg8 : memref<!tpu.dma_semaphore, #tpu.memory_space<semaphore_mem>>) src(%dma_wait3A_202 : memref<50257x1024xf32, #tpu.memory_space<hbm>>) dst(%dma_wait3A_197 : memref<32x1024xf32, #tpu.memory_space<vmem>>)
    %add3A_203 = arith.constant 224 : i32
    %add3A_204 = arith.addi %mul3A_32, %add3A_203 : i32
    %dma_start3A_205 = arith.constant 0 : i32
    %dma_start3A_206 = arith.constant 0 : i32
    %dma_start3A_207 = tpu.memref_slice %arg6[%dma_start3A_205, %dma_start3A_206] : memref<56x1024xf32, #tpu.memory_space<vmem>> -> memref<32x1024xf32, #tpu.memory_space<vmem>>
    %dma_start3A_208 = arith.constant 0 : i32
    %dma_start3A_209 = tpu.memref_slice %arg4[%select_n3A, %add3A_204, %dma_start3A_208] : memref<4x2048x1024xf32, #tpu.memory_space<hbm>> -> memref<1x32x1024xf32, #tpu.memory_space<hbm>>
    %dma_start3A_210 = tpu.memref_squeeze %dma_start3A_209 : memref<1x32x1024xf32, #tpu.memory_space<hbm>> -> memref<32x1024xf32, #tpu.memory_space<hbm>>
    %dma_start3A_211 = arith.constant 0 : i32
    %dma_start3A_212 = tpu.memref_slice %arg4[%select_n3A, %add3A_204, %dma_start3A_211] : memref<4x2048x1024xf32, #tpu.memory_space<hbm>> -> memref<1x32x1024xf32, #tpu.memory_space<hbm>>
    %dma_start3A_213 = tpu.memref_squeeze %dma_start3A_212 : memref<1x32x1024xf32, #tpu.memory_space<hbm>> -> memref<32x1024xf32, #tpu.memory_space<hbm>>
    %dma_start3A_214 = arith.constant 0 : i32
    %dma_start3A_215 = arith.constant 0 : i32
    %dma_start3A_216 = tpu.memref_slice %arg6[%dma_start3A_214, %dma_start3A_215] : memref<56x1024xf32, #tpu.memory_space<vmem>> -> memref<32x1024xf32, #tpu.memory_space<vmem>>
    tpu.enqueue_dma source(%dma_start3A_216 : memref<32x1024xf32, #tpu.memory_space<vmem>>) target(%dma_start3A_213 : memref<32x1024xf32, #tpu.memory_space<hbm>>) target_semaphore(%arg10 : memref<!tpu.dma_semaphore, #tpu.memory_space<semaphore_mem>>)
    %dma_wait3A_217 = arith.constant 0 : i32
    %dma_wait3A_218 = arith.constant 0 : i32
    %dma_wait3A_219 = tpu.memref_slice %arg7[%dma_wait3A_217, %dma_wait3A_218] : memref<56x1024xf32, #tpu.memory_space<vmem>> -> memref<56x1024xf32, #tpu.memory_space<vmem>>
    %dma_wait3A_220 = arith.constant 0 : i32
    %dma_wait3A_221 = tpu.memref_slice %arg4[%select_n3A, %add3A_182, %dma_wait3A_220] : memref<4x2048x1024xf32, #tpu.memory_space<hbm>> -> memref<1x56x1024xf32, #tpu.memory_space<hbm>>
    %dma_wait3A_222 = tpu.memref_squeeze %dma_wait3A_221 : memref<1x56x1024xf32, #tpu.memory_space<hbm>> -> memref<56x1024xf32, #tpu.memory_space<hbm>>
    %dma_wait3A_223 = arith.constant 0 : i32
    %dma_wait3A_224 = tpu.memref_slice %arg4[%select_n3A, %add3A_182, %dma_wait3A_223] : memref<4x2048x1024xf32, #tpu.memory_space<hbm>> -> memref<1x56x1024xf32, #tpu.memory_space<hbm>>
    %dma_wait3A_225 = tpu.memref_squeeze %dma_wait3A_224 : memref<1x56x1024xf32, #tpu.memory_space<hbm>> -> memref<56x1024xf32, #tpu.memory_space<hbm>>
    %dma_wait3A_226 = arith.constant 0 : i32
    %dma_wait3A_227 = arith.constant 0 : i32
    %dma_wait3A_228 = tpu.memref_slice %arg7[%dma_wait3A_226, %dma_wait3A_227] : memref<56x1024xf32, #tpu.memory_space<vmem>> -> memref<56x1024xf32, #tpu.memory_space<vmem>>
    tpu.wait_dma2 semaphore(%arg11 : memref<!tpu.dma_semaphore, #tpu.memory_space<semaphore_mem>>) src(%dma_wait3A_228 : memref<56x1024xf32, #tpu.memory_space<vmem>>) dst(%dma_wait3A_225 : memref<56x1024xf32, #tpu.memory_space<hbm>>)
    %dma_wait3A_229 = arith.constant 0 : i32
    %dma_wait3A_230 = arith.constant 0 : i32
    %dma_wait3A_231 = tpu.memref_slice %arg6[%dma_wait3A_229, %dma_wait3A_230] : memref<56x1024xf32, #tpu.memory_space<vmem>> -> memref<32x1024xf32, #tpu.memory_space<vmem>>
    %dma_wait3A_232 = arith.constant 0 : i32
    %dma_wait3A_233 = tpu.memref_slice %arg4[%select_n3A, %add3A_204, %dma_wait3A_232] : memref<4x2048x1024xf32, #tpu.memory_space<hbm>> -> memref<1x32x1024xf32, #tpu.memory_space<hbm>>
    %dma_wait3A_234 = tpu.memref_squeeze %dma_wait3A_233 : memref<1x32x1024xf32, #tpu.memory_space<hbm>> -> memref<32x1024xf32, #tpu.memory_space<hbm>>
    %dma_wait3A_235 = arith.constant 0 : i32
    %dma_wait3A_236 = tpu.memref_slice %arg4[%select_n3A, %add3A_204, %dma_wait3A_235] : memref<4x2048x1024xf32, #tpu.memory_space<hbm>> -> memref<1x32x1024xf32, #tpu.memory_space<hbm>>
    %dma_wait3A_237 = tpu.memref_squeeze %dma_wait3A_236 : memref<1x32x1024xf32, #tpu.memory_space<hbm>> -> memref<32x1024xf32, #tpu.memory_space<hbm>>
    %dma_wait3A_238 = arith.constant 0 : i32
    %dma_wait3A_239 = arith.constant 0 : i32
    %dma_wait3A_240 = tpu.memref_slice %arg6[%dma_wait3A_238, %dma_wait3A_239] : memref<56x1024xf32, #tpu.memory_space<vmem>> -> memref<32x1024xf32, #tpu.memory_space<vmem>>
    tpu.wait_dma2 semaphore(%arg10 : memref<!tpu.dma_semaphore, #tpu.memory_space<semaphore_mem>>) src(%dma_wait3A_240 : memref<32x1024xf32, #tpu.memory_space<vmem>>) dst(%dma_wait3A_237 : memref<32x1024xf32, #tpu.memory_space<hbm>>)
    return
  }
}

</mosaic_0001>

<sc_bundles>
// kernel: kernel.3.cloned.1.call-start
scs
__scs_entry_jumppad:
0x0: {  	(pc) =	sbr.rel $0x88, $3  }
0x1: {  	(tag) =	ssettag $0x0;
	lr =	simm.s32 $0x1  }
0x2: {  	[smem:$0x3F9F] =	sst lr;
	_ =	strace $0xD0000000  }
0x3: {  	_ = 	snop  }
0x4: {  	_ = 	snop  }
0x5: {  	_ = 	snop  }
0x6: {  	_ = 	snop  }
0x7: {  	_ = 	snop  }
__scs_overlays_trampoline_lowered:
0x8: {  	[smem:$0x3FAE] =	sst s0  }
0x9: {  	[smem:$0x3FAF] =	sst s1  }
0xa: {  	[smem:$0x3FB0] =	sst s2  }
0xb: {  	[smem:$0x3FB1] =	sst s3  }
0xc: {  	[smem:$0x3FB2] =	sst s4  }
0xd: {  	[smem:$0x3FB3] =	sst s5  }
0xe: {  	[smem:$0x3FB4] =	sst s6  }
0xf: {  	[smem:$0x3FB5] =	sst s7  }
0x10: {  	[smem:$0x3FB6] =	sst s8  }
0x11: {  	[smem:$0x3FB7] =	sst s9;
	s0 =	simm.s32 @!p0 $0x0  }
0x12: {  	s1 =	sld [smem:$0x3F9D];
	s0 =	simm.s32 @p0 $0x1  }
0x13: {  	[smem:$0x3FB8] =	sst s0;
	s0 =	simm.s32 @!p1 $0x0  }
0x14: {  	s2 =	sld [smem:$0x3F9C];
	s0 =	simm.s32 @p1 $0x1  }
0x15: {  	[smem:$0x3FB9] =	sst s0;
	s0 =	simm.s32 @!p2 $0x0  }
0x16: {  	s3 =	sld [smem:$0x3FDB];
	s0 =	simm.s32 @p2 $0x1  }
0x17: {  	s4 =	simm.s32 $0x1BF5;
	[smem:$0x3FBB] =	sst s0  }
0x18: {  	s0 =	sld [smem:$0x3F9E];
	_ =	swait.ge [sflag:s4], $0x0  }
0x19: {  	s7 =	sld [smem:$0x3F9F]  }
0x1a: {  	s8 =	sadd.s32 $0xFFFFE003, lr  }
0x1b: {  	s9 =	sadd.s32 $0xFFFFFEF7, lr;
	s5 =	simm.s32 $0xFFFFFFFF;
	p2 =	slt.u32 s8, $0xFFFFF086  }
0x1c: {  	p1 =	slt.u32 s9, $0xF7A;
	s5 =	simm.s32 @!p2 $0x0  }
0x1d: {  	s5 =	simm.s32 @p1 $0x1;
	p0 =	seq.s32 s7, s2  }
0x1e: {  	s7 =	smul.u32 @!p0 $0xF7A, s2;
	p2 =	seq.s32 @!p0 s5, $0x0  }
0x1f: {  	s9 =	smul.u32 $0xF7A, s1;
	s8 =	simm.s32 @!p0 $0x1BF5;
	p2 =	por !p2, p0  }
0x20: {  	[sflag:s8] =	ssyncset.s32 @!p0 $0xFFFFF086;
	s6 =	sadd.s32 @!p0 s3, s7;
	s7 =	simm.s32 @!p0 $0x108  }
0x21: {  	s3 =	sadd.s32 s3, s9;
	s6 =	sadd.s32 @!p0 $0x88, s6;
	s7 =	simm.s32 @p2 $0x1082  }
0x22: {  	[simem:s7], [sflag:s8] =	dma.local @!p0 [hbm:s6], $0xF7A  }
0x23: {  	s9 =	sor.u32 $0xD0000000, s2;
	s6 =	simm.s32 $0x108;
	_ =	swait.ge @!p0 [sflag:s8], $0x0  }
0x24: {  	s3 =	sadd.s32 $0x88, s3;
	s6 =	simm.s32 @!p1 $0x1082;
	[sflag:s4] =	ssyncset.s32 $0xFFFFF086  }
0x25: {  	[simem:s6], [sflag:s4] =	dma.local [hbm:s3], $0xF7A  }
0x26: {  	[smem:$0x3F9F] =	sst s1;
	(tag) =	ssettag s2;
	_ =	strace s9  }
0x27: {  	s1 =	sld [smem:$0x3FAF]  }
0x28: {  	s2 =	sld [smem:$0x3FB0]  }
0x29: {  	s4 =	sld [smem:$0x3FB2]  }
0x2a: {  	p0 =	seq.s32 s5, $0x0;
	s5 =	sld [smem:$0x3FB3]  }
0x2b: {  	s6 =	sld [smem:$0x3FB4]  }
0x2c: {  	s7 =	sld [smem:$0x3FB5]  }
0x2d: {  	s3 =	simm.s32 $0x108;
	s8 =	sld [smem:$0x3FB6]  }
0x2e: {  	s3 =	simm.s32 @!p0 $0x1082;
	s9 =	sld [smem:$0x3FB7]  }
0x2f: {  	lr =	sadd.s32 s0, s3;
	s0 =	sld [smem:$0x3FAE]  }
0x30: {  	s3 =	sld [smem:$0x3FB1]  }
0x31: {  	[smem:$0x3FBA] =	sst s10  }
0x32: {  	s10 =	sld [smem:$0x3FB8];
	_ =	sdelay $0x3  }
0x33: {  	p0 =	seq.s32 s10, $0x1;
	s10 =	sld [smem:$0x3FBA];
	_ =	sdelay $0x3  }
0x34: {  	[smem:$0x3FBA] =	sst s10  }
0x35: {  	s10 =	sld [smem:$0x3FB9];
	_ =	sdelay $0x3  }
0x36: {  	p1 =	seq.s32 s10, $0x1;
	s10 =	sld [smem:$0x3FBA];
	_ =	sdelay $0x3  }
0x37: {  	[smem:$0x3FBA] =	sst s10  }
0x38: {  	s10 =	sld [smem:$0x3FBB]  }
0x39: {  	_ = 	snop;
	(pc) =	sbr.ind lr, $3  }
0x3a: {  	_ = 	snop  }
0x3b: {  	_ = 	snop  }
0x3c: {  	p2 =	seq.s32 s10, $0x1;
	s10 =	sld [smem:$0x3FBA]  }
0x3d: {  	_ =	shalt  }
0x3e: {  	_ =	shalt  }
0x3f: {  	_ =	shalt  }
0x40: {  	_ =	shalt  }
0x41: {  	_ =	shalt  }
0x42: {  	_ =	shalt  }
0x43: {  	_ =	shalt  }
0x44: {  	_ =	shalt  }
0x45: {  	_ =	shalt  }
0x46: {  	_ =	shalt  }
0x47: {  	_ =	shalt  }
0x48: {  	_ =	shalt  }
0x49: {  	_ =	shalt  }
0x4a: {  	_ =	shalt  }
0x4b: {  	_ =	shalt  }
0x4c: {  	_ =	shalt  }
0x4d: {  	_ =	shalt  }
0x4e: {  	_ =	shalt  }
0x4f: {  	_ =	shalt  }
0x50: {  	_ =	shalt  }
0x51: {  	_ =	shalt  }
0x52: {  	_ =	shalt  }
0x53: {  	_ =	shalt  }
0x54: {  	_ =	shalt  }
0x55: {  	_ =	shalt  }
0x56: {  	_ =	shalt  }
0x57: {  	_ =	shalt  }
0x58: {  	_ =	shalt  }
0x59: {  	_ =	shalt  }
0x5a: {  	_ =	shalt  }
0x5b: {  	_ =	shalt  }
0x5c: {  	_ =	shalt  }
0x5d: {  	_ =	shalt  }
0x5e: {  	_ =	shalt  }
0x5f: {  	_ =	shalt  }
0x60: {  	_ =	shalt  }
0x61: {  	_ =	shalt  }
0x62: {  	_ =	shalt  }
0x63: {  	_ =	shalt  }
0x64: {  	_ =	shalt  }
0x65: {  	_ =	shalt  }
0x66: {  	_ =	shalt  }
0x67: {  	_ =	shalt  }
0x68: {  	_ =	shalt  }
0x69: {  	_ =	shalt  }
0x6a: {  	_ =	shalt  }
0x6b: {  	_ =	shalt  }
0x6c: {  	_ =	shalt  }
0x6d: {  	_ =	shalt  }
0x6e: {  	_ =	shalt  }
0x6f: {  	_ =	shalt  }
0x70: {  	_ =	shalt  }
0x71: {  	_ =	shalt  }
0x72: {  	_ =	shalt  }
0x73: {  	_ =	shalt  }
0x74: {  	_ =	shalt  }
0x75: {  	_ =	shalt  }
0x76: {  	_ =	shalt  }
0x77: {  	_ =	shalt  }
0x78: {  	_ =	shalt  }
0x79: {  	_ =	shalt  }
0x7a: {  	_ =	shalt  }
0x7b: {  	_ =	shalt  }
0x7c: {  	_ =	shalt  }
0x7d: {  	_ =	shalt  }
0x7e: {  	_ =	shalt  }
0x7f: {  	_ =	shalt  }
0x80: {  	_ =	shalt  }
0x81: {  	_ =	shalt  }
0x82: {  	_ =	shalt  }
0x83: {  	_ =	shalt  }
0x84: {  	_ =	shalt  }
0x85: {  	_ =	shalt  }
0x86: {  	_ =	shalt  }
0x87: {  	_ =	shalt  }
.Lfunc_end0:
.L_simem_size_0:
called_computation_lowered:
.L_overlay_start_0:
0x88: {  	s2 =	sld [smem:$0x3FD9]  }
0x89: {  	s3 =	sld [smem:$0x3FFE];
	_ =	sdelay $0x1  }
0x8a: {  	s1 =	srdreg.scid  }
0x8b: {  	s0 =	sand.u32 $0x1, s1  }
0x8c: {  	s18 =	sshll.u32 s0, $0xA;
	s2 =	sadd.s32 s3, s2  }
0x8d: {  	s2 =	sadd.s32 s2, s18  }
0x8e: {  	[smem:$0x3FC6] =	sst s2  }
0x8f: {  	_ = 	snop  }
0x90: {  	s2 =	sld [smem:$0x3FC9]  }
0x91: {  	s19 =	sld [smem:$0x3FC8]  }
0x92: {  	s4 =	sld [smem:$0x3FD0];
	(tm) =	ssettm $0x1  }
0x93: {  	s5 =	sld [smem:$0x3FFB];
	_ =	sdelay $0x3  }
0x94: {  	_ =	strace s5  }
0x95: {  	s5 =	sld [smem:$0x3FFC];
	_ =	sdelay $0x3  }
0x96: {  	_ =	strace s5  }
0x97: {  	s5 =	sld [smem:$0x3FFD];
	_ =	sdelay $0x3  }
0x98: {  	_ =	strace s5  }
0x99: {  	_ =	strace $0x8FFFFFFF  }
0x9a: {  	s20 =	sld [smem:$0x3FDB];
	_ =	sdelay $0x1  }
0x9b: {  	s6 =	simm.s32 $_scs_section_size  }
0x9c: {  	s7 =	simm.s32 $_size__tile_overlayer_lowered;
	s8 =	simm.s32 $_tile_overlayer_lowered  }
0x9d: {  	s23 =	simm.s32 $0x1BFF;
	s22 =	sshll.u32 s8, $0x1;
	s5 =	sadd.s32 s6, s20  }
0x9e: {  	s9 =	simm.s32 $0x0;
	s21 =	sshll.u32 s7, $0x1;
	s7 =	sadd.s32 s22, s5  }
0x9f: {  	[timem:s9], [sflag:s23] =	dma.local [hbm:s7], s21  }
0xa0: {  	_ =	swait.ge [sflag:s23], s21  }
0xa1: {  	s6 =	ssub.s32 $0x0, s21;
	[sflag:s23] =	ssyncset.done $0x0  }
0xa2: {  	[sflag:s23] =	ssyncadd.s32 s6;
	_ =	sdelay $0x1  }
0xa3: {  	s24 =	simm.s32 $0x1B8B  }
0xa4: {  	_ =	swait.ge [sflag:s24], $0x1  }
0xa5: {  	[sflag:s24] =	ssyncset.done $0x0  }
0xa6: {  	s25 =	simm.s32 $0x1B8E;
	[sflag:s24] =	ssyncadd.s32 $0xFFFFFFFF  }
0xa7: {  	s26 =	simm.s32 $execute0_lowered;
	[smem:$0x3FD2] =	sst s25  }
0xa8: {  	s6 =	sshll.u32 s26, $0x1;
	_ =	strace $0x80000046;
	[dreg:$0x1] =	wrdreg $0xFFFFFFFF  }
0xa9: {  	s28 =	simm.s32 $_size_execute0_lowered;
	s5 =	sadd.s32 s5, s6;
	[dreg:$0x0] =	wrdreg $0x0  }
0xaa: {  	s6 =	sshll.u32 s28, $0x1;
	[dreg:$0x2] =	wrdreg s5  }
0xab: {  	[dreg:$0x3] =	wrdreg s6  }
0xac: {  	[dreg:$0x4] =	wrdreg $0xC0  }
0xad: {  	_ =	task [dreg:s9], $0x5FFFF  }
0xae: {  	[dreg:$0x1] =	wrdreg $0xFFFFFFFF  }
0xaf: {  	[dreg:$0x0] =	wrdreg $0x60  }
0xb0: {  	[dreg:$0x2] =	wrdreg s2  }
0xb1: {  	[dreg:$0x3] =	wrdreg s19  }
0xb2: {  	[dreg:$0x4] =	wrdreg s4  }
0xb3: {  	[dreg:$0x5] =	wrdreg $0x9  }
0xb4: {  	_ =	task.clear_ibuf [dreg:s9], $0x6FFFF;
	_ =	strace $0x90000046  }
0xb5: {  	s29 =	simm.s32 $0x9;
	_ =	strace $0x80000048  }
0xb6: {  	_ =	swait.ge [sflag:s29], $0x1  }
0xb7: {  	[sflag:s29] =	ssyncadd.s32 $0xFFFFFFFF  }
0xb8: {  	_ =	strace $0x90000048  }
0xb9: {  	_ =	sfence  }
0xba: {  	s30 =	sld [smem:$0x0];
	_ =	sdelay $0x2  }
0xbb: {  	s31 =	sshll.u32 s1, $0xD;
	s1 =	sshrl.u32 s1, $0x2  }
0xbc: {  	s3 =	sand.u32 $0x4000, s31;
	s1 =	sadd.s32 s1, s30  }
0xbd: {  	s0 =	sor.u32 s3, s0;
	s1 =	sshll.u32 s1, $0x11  }
0xbe: {  	s0 =	sor.u32 s1, s0  }
0xbf: {  	s0 =	sadd.s32 $0x8F2B, s0  }
0xc0: {  	[sflag:s0] =	ssyncadd.remote.s32 $0x1  }
0xc1: {  	_ =	sfence.sel $0xFFFF  }
0xc2: {  	[dreg:$0x0] =	wrdreg $0xFFFFFFFF;
	(pc) =	sbr.abs _section_cstart, $3  }
0xc3: {  	[dreg:$0x1] =	wrdreg $0xFFFFFFFF  }
0xc4: {  	_ =	task.clear_ibuf [dreg:s9], $0x2FFFF;
	_ =	strace $0x9FFFFFFF  }
0xc5: {  	(tm) =	ssettm $0x7FFFFFFF  }
tec
execute0_lowered:
.L_overlay_start_1:
0x0: {  	(tag) =	ssettag $0x1  }
0x1: {  	s0 =	rddreg [dreg:$0x0]  }
0x2: {  	s2 =	rddreg [dreg:$0x1]  }
0x3: {  	s1 =	rddreg [dreg:$0x2]  }
0x4: {  	s6 =	stileid.u32;
	s4 =	srdreg.scid  }
0x5: {  	s3 =	simm.s32 $0x0;
	s30 =	simm.s32 $0x80;
	s31 =	simm.s32 $0x200  }
0x6: {  	s28 =	simm.s32 $0x100;
	s11 =	simm.s32 $0x9900;
	s10 =	simm.s32 $0xA900  }
0x7: {  	s12 =	simm.s32 $0xB100;
	s13 =	simm.s32 $0xB900;
	s14 =	simm.s32 $0xC100  }
0x8: {  	s15 =	simm.s32 $0xC900;
	s16 =	simm.s32 $0xD100;
	s17 =	simm.s32 $0xD900  }
0x9: {  	s18 =	simm.s32 $0xE100;
	s19 =	simm.s32 $0xE900;
	s20 =	simm.s32 $0xF100  }
0xa: {  	s21 =	simm.s32 $0xF900;
	s29 =	simm.s32 $0x12100;
	s5 =	sshll.u32 s6, $0x1  }
0xb: {  	s4 =	sand.u32 $0x1, s4;
	[smem:$0x7FF] =	sst s3;
	s6 =	sshrl.u32 s6, $0x2  }
0xc: {  	s5 =	sand.u32 $0x6, s5;
	s8 =	sshll.u32 s6, $0x4;
	s6 =	sshll.u32 s6, $0x12  }
0xd: {  	_ =	strace $0x80000047;
	s22 =	ssub.s32 $0x2, s4;
	[dreg:$0x9] =	wrdreg s30  }
0xe: {  	[dreg:$0xa] =	wrdreg s31;
	s5 =	sor.u32 s4, s5;
	s0 =	sadd.s32 s0, s8  }
0xf: {  	s4 =	sshrl.u32 s22, $0x1;
	s7 =	sshll.u32 s5, $0xF;
	s5 =	sshll.u32 s5, $0x7  }
0x10: {  	s6 =	sor.u32 s6, s7;
	s0 =	sadd.s32 s5, s0;
	s5 =	sadd.s32 $0x100, s2  }
0x11: {  	s7 =	sadd.s32 $0x300, s2;
	s6 =	sadd.s32 s1, s6;
	[dreg:$0x4] =	wrdreg s0  }
0x12: {  	s1 =	ssub.s32 s22, s4;
	s23 =	sadd.s32 $0x1C00, s6;
	[dreg:$0xb] =	wrdreg s6  }
0x13: {  	s22 =	simm.s32 $0x10100;
	s24 =	sadd.s32 $0x3800, s6;
	[dreg:$0x5] =	wrdreg s23  }
0x14: {  	s25 =	sadd.s32 $0x5400, s6;
	s26 =	sadd.s32 $0x7000, s6;
	[dreg:$0x6] =	wrdreg s24  }
0x15: {  	v2 =	vlaneseq.u32;
	s6 =	sadd.s32 $0x200, s2;
	s8 =	smax.u32 s1, $0x1;
	[dreg:$0x7] =	wrdreg s25  }
0x16: {  	vm0 =	vmmov $0xffff;
	v1 =	vshrl.u32 v2, $0x3;
	s1 =	simm.s32 $0x1;
	[dreg:$0x8] =	wrdreg s26;
	s26 =	simm.s32 $0x3  }
0x17: {  	v0 =	vand.u32 $0x7, v2;
	v2 =	vor.u32 $0x8, v2;
	v1 =	vmul.u32 $0x8, v1;
	s23 =	simm.s32 $0x10900;
	s24 =	simm.s32 $0x11100;
	s25 =	simm.s32 $0x11900  }
.LBB2_1:
0x18: {  	s4 =	rddreg [dreg:$0x4]  }
0x19: {  	s30 =	rddreg [dreg:$0x9]  }
0x1a: {  	s31 =	rddreg [dreg:$0xa];
	s0 =	simm.s32 $0x5  }
0x1b: {  	[tilespmem:s3], [sflag:$0x5] =	stream.strided.gather [hbm4b:s4+s30], $0x100, s31, s30, $0x38;
	[tilespmem:$0x1C100] =	vst v63  }
0x1c: {  	_ =	swait.ge [sflag:s0], $0x100  }
0x1d: {  	[sflag:s0] =	ssyncset.done $0x0  }
0x1e: {  	[sflag:s0] =	ssyncadd.s32 $0xFFFFFF00  }
0x1f: {  	v3 =	vld [tilespmem:$0x0];
	_ =	sdelay $0x4  }
0x20: {  	v4 =	vshll.u32 v3, $0x3  }
0x21: {  	v3 =	vand.u32 $0x7, v3;
	v4 =	vand.u32 $0xFFFFFFC0, v4  }
0x22: {  	v3 =	vor.u32 v3, v4  }
0x23: {  	v4 =	vperm.xlane v3, v0;
	_ =	sdelay $0x1  }
0x24: {  	v4 =	vadd.s32 v1, v4;
	_ =	sdelay $0x4  }
0x25: {  	[tilespmem:s28], [sflag:$0x1] =	stream.indirect_vreg.gather [hbm4b:s2+s3], $0x80, v4, vm0, $0xb8;
	[tilespmem:$0x1C100] =	vst v63  }
0x26: {  	s0 =	simm.s32 $0x900;
	v3 =	vperm.xlane v3, v2  }
0x27: {  	[tilespmem:s0], [sflag:$0x1] =	stream.indirect_vreg.gather [hbm4b:s5+s3], $0x80, v4, vm0, $0xb8;
	[tilespmem:$0x1C100] =	vst v63  }
0x28: {  	s4 =	simm.s32 $0x1100;
	v3 =	vadd.s32 v1, v3  }
0x29: {  	[tilespmem:s4], [sflag:$0x1] =	stream.indirect_vreg.gather [hbm4b:s6+s3], $0x80, v4, vm0, $0xb8;
	[tilespmem:$0x1C100] =	vst v63  }
0x2a: {  	s9 =	simm.s32 $0x1900  }
0x2b: {  	[tilespmem:s9], [sflag:$0x1] =	stream.indirect_vreg.gather [hbm4b:s7+s3], $0x80, v4, vm0, $0xb8;
	[tilespmem:$0x1C100] =	vst v63  }
0x2c: {  	s30 =	simm.s32 $0x2100  }
0x2d: {  	[tilespmem:s30], [sflag:$0x1] =	stream.indirect_vreg.gather [hbm4b:s2+s3], $0x80, v3, vm0, $0xb8;
	[tilespmem:$0x1C100] =	vst v63  }
0x2e: {  	s31 =	simm.s32 $0x2900  }
0x2f: {  	[tilespmem:s31], [sflag:$0x1] =	stream.indirect_vreg.gather [hbm4b:s5+s3], $0x80, v3, vm0, $0xb8;
	[tilespmem:$0x1C100] =	vst v63  }
0x30: {  	s4 =	simm.s32 $0x3100  }
0x31: {  	[tilespmem:s4], [sflag:$0x1] =	stream.indirect_vreg.gather [hbm4b:s6+s3], $0x80, v3, vm0, $0xb8;
	[tilespmem:$0x1C100] =	vst v63  }
0x32: {  	s9 =	simm.s32 $0x3900  }
0x33: {  	[tilespmem:s9], [sflag:$0x1] =	stream.indirect_vreg.gather [hbm4b:s7+s3], $0x80, v3, vm0, $0xb8;
	[tilespmem:$0x1C100] =	vst v63  }
0x34: {  	v3 =	vld [tilespmem:$0x10];
	_ =	sdelay $0x4  }
0x35: {  	v47 =	vshll.u32 v3, $0x3  }
0x36: {  	v3 =	vand.u32 $0x7, v3;
	v4 =	vand.u32 $0xFFFFFFC0, v47  }
0x37: {  	v3 =	vor.u32 v3, v4  }
0x38: {  	v4 =	vperm.xlane v3, v0;
	_ =	sdelay $0x1  }
0x39: {  	v4 =	vadd.s32 v1, v4;
	_ =	sdelay $0x3  }
0x3a: {  	s30 =	simm.s32 $0x4100  }
0x3b: {  	[tilespmem:s30], [sflag:$0x1] =	stream.indirect_vreg.gather [hbm4b:s2+s3], $0x80, v4, vm0, $0xb8;
	[tilespmem:$0x1C100] =	vst v63  }
0x3c: {  	s31 =	simm.s32 $0x4900;
	v3 =	vperm.xlane v3, v2  }
0x3d: {  	[tilespmem:s31], [sflag:$0x1] =	stream.indirect_vreg.gather [hbm4b:s5+s3], $0x80, v4, vm0, $0xb8;
	[tilespmem:$0x1C100] =	vst v63  }
0x3e: {  	s4 =	simm.s32 $0x5100;
	v3 =	vadd.s32 v1, v3  }
0x3f: {  	[tilespmem:s4], [sflag:$0x1] =	stream.indirect_vreg.gather [hbm4b:s6+s3], $0x80, v4, vm0, $0xb8;
	[tilespmem:$0x1C100] =	vst v63  }
0x40: {  	s9 =	simm.s32 $0x5900  }
0x41: {  	[tilespmem:s9], [sflag:$0x1] =	stream.indirect_vreg.gather [hbm4b:s7+s3], $0x80, v4, vm0, $0xb8;
	[tilespmem:$0x1C100] =	vst v63  }
0x42: {  	s30 =	simm.s32 $0x6100  }
0x43: {  	[tilespmem:s30], [sflag:$0x1] =	stream.indirect_vreg.gather [hbm4b:s2+s3], $0x80, v3, vm0, $0xb8;
	[tilespmem:$0x1C100] =	vst v63  }
0x44: {  	s31 =	simm.s32 $0x6900  }
0x45: {  	[tilespmem:s31], [sflag:$0x1] =	stream.indirect_vreg.gather [hbm4b:s5+s3], $0x80, v3, vm0, $0xb8;
	[tilespmem:$0x1C100] =	vst v63  }
0x46: {  	s4 =	simm.s32 $0x7100  }
0x47: {  	[tilespmem:s4], [sflag:$0x1] =	stream.indirect_vreg.gather [hbm4b:s6+s3], $0x80, v3, vm0, $0xb8;
	[tilespmem:$0x1C100] =	vst v63  }
0x48: {  	s9 =	simm.s32 $0x7900  }
0x49: {  	[tilespmem:s9], [sflag:$0x1] =	stream.indirect_vreg.gather [hbm4b:s7+s3], $0x80, v3, vm0, $0xb8;
	[tilespmem:$0x1C100] =	vst v63  }
0x4a: {  	v3 =	vld [tilespmem:$0x20];
	_ =	sdelay $0x4  }
0x4b: {  	v48 =	vshll.u32 v3, $0x3  }
0x4c: {  	v3 =	vand.u32 $0x7, v3;
	v4 =	vand.u32 $0xFFFFFFC0, v48  }
0x4d: {  	v3 =	vor.u32 v3, v4  }
0x4e: {  	v4 =	vperm.xlane v3, v0;
	_ =	sdelay $0x1  }
0x4f: {  	v4 =	vadd.s32 v1, v4;
	_ =	sdelay $0x3  }
0x50: {  	s30 =	simm.s32 $0x8100  }
0x51: {  	[tilespmem:s30], [sflag:$0x1] =	stream.indirect_vreg.gather [hbm4b:s2+s3], $0x80, v4, vm0, $0xb8;
	[tilespmem:$0x1C100] =	vst v63  }
0x52: {  	s31 =	simm.s32 $0x8900;
	v3 =	vperm.xlane v3, v2  }
0x53: {  	[tilespmem:s31], [sflag:$0x1] =	stream.indirect_vreg.gather [hbm4b:s5+s3], $0x80, v4, vm0, $0xb8;
	[tilespmem:$0x1C100] =	vst v63  }
0x54: {  	s9 =	simm.s32 $0x9100;
	v3 =	vadd.s32 v1, v3  }
0x55: {  	[tilespmem:s9], [sflag:$0x1] =	stream.indirect_vreg.gather [hbm4b:s6+s3], $0x80, v4, vm0, $0xb8;
	[tilespmem:$0x1C100] =	vst v63  }
0x56: {  	_ = 	snop  }
0x57: {  	[tilespmem:s11], [sflag:$0x1] =	stream.indirect_vreg.gather [hbm4b:s7+s3], $0x80, v4, vm0, $0xb8;
	[tilespmem:$0x1C100] =	vst v63  }
0x58: {  	s0 =	simm.s32 $0xA100  }
0x59: {  	[tilespmem:s0], [sflag:$0x1] =	stream.indirect_vreg.gather [hbm4b:s2+s3], $0x80, v3, vm0, $0xb8;
	[tilespmem:$0x1C100] =	vst v63  }
0x5a: {  	_ = 	snop  }
0x5b: {  	[tilespmem:s10], [sflag:$0x1] =	stream.indirect_vreg.gather [hbm4b:s5+s3], $0x80, v3, vm0, $0xb8;
	[tilespmem:$0x1C100] =	vst v63  }
0x5c: {  	_ = 	snop  }
0x5d: {  	[tilespmem:s12], [sflag:$0x1] =	stream.indirect_vreg.gather [hbm4b:s6+s3], $0x80, v3, vm0, $0xb8;
	[tilespmem:$0x1C100] =	vst v63  }
0x5e: {  	_ = 	snop  }
0x5f: {  	[tilespmem:s13], [sflag:$0x1] =	stream.indirect_vreg.gather [hbm4b:s7+s3], $0x80, v3, vm0, $0xb8;
	[tilespmem:$0x1C100] =	vst v63  }
0x60: {  	v3 =	vld.msk [tilespmem:$0x30], $0xff;
	_ =	sdelay $0x4  }
0x61: {  	v49 =	vshll.u32 v3, $0x3  }
0x62: {  	v3 =	vand.u32 $0x7, v3;
	v4 =	vand.u32 $0xFFFFFFC0, v49  }
0x63: {  	v3 =	vor.u32 v3, v4  }
0x64: {  	v3 =	vperm.xlane v3, v0;
	_ =	sdelay $0x1  }
0x65: {  	v3 =	vadd.s32 v1, v3;
	_ =	sdelay $0x4  }
0x66: {  	[tilespmem:s14], [sflag:$0x1] =	stream.indirect_vreg.gather [hbm4b:s2+s3], $0x80, v3, vm0, $0xb8;
	[tilespmem:$0x1C100] =	vst v63  }
0x67: {  	_ = 	snop  }
0x68: {  	[tilespmem:s15], [sflag:$0x1] =	stream.indirect_vreg.gather [hbm4b:s5+s3], $0x80, v3, vm0, $0xb8;
	[tilespmem:$0x1C100] =	vst v63  }
0x69: {  	_ = 	snop  }
0x6a: {  	[tilespmem:s16], [sflag:$0x1] =	stream.indirect_vreg.gather [hbm4b:s6+s3], $0x80, v3, vm0, $0xb8;
	[tilespmem:$0x1C100] =	vst v63  }
0x6b: {  	_ = 	snop  }
0x6c: {  	[tilespmem:s17], [sflag:$0x1] =	stream.indirect_vreg.gather [hbm4b:s7+s3], $0x80, v3, vm0, $0xb8;
	[tilespmem:$0x1C100] =	vst v63  }
0x6d: {  	v3 =	vld [tilespmem:$0x38];
	_ =	sdelay $0x4  }
0x6e: {  	v50 =	vshll.u32 v3, $0x3  }
0x6f: {  	v3 =	vand.u32 $0x7, v3;
	v4 =	vand.u32 $0xFFFFFFC0, v50  }
0x70: {  	v3 =	vor.u32 v3, v4  }
0x71: {  	v4 =	vperm.xlane v3, v0;
	_ =	sdelay $0x1  }
0x72: {  	v4 =	vadd.s32 v1, v4;
	_ =	sdelay $0x4  }
0x73: {  	[tilespmem:s18], [sflag:$0x2] =	stream.indirect_vreg.gather [hbm4b:s2+s3], $0x80, v4, vm0, $0xb8;
	[tilespmem:$0x1C100] =	vst v63  }
0x74: {  	v3 =	vperm.xlane v3, v2  }
0x75: {  	[tilespmem:s19], [sflag:$0x2] =	stream.indirect_vreg.gather [hbm4b:s5+s3], $0x80, v4, vm0, $0xb8;
	[tilespmem:$0x1C100] =	vst v63  }
0x76: {  	v3 =	vadd.s32 v1, v3  }
0x77: {  	[tilespmem:s20], [sflag:$0x2] =	stream.indirect_vreg.gather [hbm4b:s6+s3], $0x80, v4, vm0, $0xb8;
	[tilespmem:$0x1C100] =	vst v63  }
0x78: {  	_ = 	snop  }
0x79: {  	[tilespmem:s21], [sflag:$0x2] =	stream.indirect_vreg.gather [hbm4b:s7+s3], $0x80, v4, vm0, $0xb8;
	[tilespmem:$0x1C100] =	vst v63  }
0x7a: {  	_ = 	snop  }
0x7b: {  	[tilespmem:s22], [sflag:$0x2] =	stream.indirect_vreg.gather [hbm4b:s2+s3], $0x80, v3, vm0, $0xb8;
	[tilespmem:$0x1C100] =	vst v63  }
0x7c: {  	_ = 	snop  }
0x7d: {  	[tilespmem:s23], [sflag:$0x2] =	stream.indirect_vreg.gather [hbm4b:s5+s3], $0x80, v3, vm0, $0xb8;
	[tilespmem:$0x1C100] =	vst v63  }
0x7e: {  	_ = 	snop  }
0x7f: {  	[tilespmem:s24], [sflag:$0x2] =	stream.indirect_vreg.gather [hbm4b:s6+s3], $0x80, v3, vm0, $0xb8;
	[tilespmem:$0x1C100] =	vst v63  }
0x80: {  	_ = 	snop  }
0x81: {  	[tilespmem:s25], [sflag:$0x2] =	stream.indirect_vreg.gather [hbm4b:s7+s3], $0x80, v3, vm0, $0xb8;
	[tilespmem:$0x1C100] =	vst v63  }
0x82: {  	v3 =	vld [tilespmem:$0x48];
	_ =	sdelay $0x4  }
0x83: {  	v51 =	vshll.u32 v3, $0x3  }
0x84: {  	v3 =	vand.u32 $0x7, v3;
	v4 =	vand.u32 $0xFFFFFFC0, v51  }
0x85: {  	v3 =	vor.u32 v3, v4  }
0x86: {  	v4 =	vperm.xlane v3, v0;
	_ =	sdelay $0x1  }
0x87: {  	v4 =	vadd.s32 v1, v4;
	_ =	sdelay $0x4  }
0x88: {  	[tilespmem:s29], [sflag:$0x2] =	stream.indirect_vreg.gather [hbm4b:s2+s3], $0x80, v4, vm0, $0xb8;
	[tilespmem:$0x1C100] =	vst v63  }
0x89: {  	s4 =	simm.s32 $0x12900;
	v3 =	vperm.xlane v3, v2  }
0x8a: {  	[tilespmem:s4], [sflag:$0x2] =	stream.indirect_vreg.gather [hbm4b:s5+s3], $0x80, v4, vm0, $0xb8;
	[tilespmem:$0x1C100] =	vst v63  }
0x8b: {  	v3 =	vadd.s32 v1, v3;
	s4 =	simm.s32 $0x13100  }
0x8c: {  	[tilespmem:s4], [sflag:$0x2] =	stream.indirect_vreg.gather [hbm4b:s6+s3], $0x80, v4, vm0, $0xb8;
	[tilespmem:$0x1C100] =	vst v63  }
0x8d: {  	s4 =	simm.s32 $0x13900  }
0x8e: {  	[tilespmem:s4], [sflag:$0x2] =	stream.indirect_vreg.gather [hbm4b:s7+s3], $0x80, v4, vm0, $0xb8;
	[tilespmem:$0x1C100] =	vst v63  }
0x8f: {  	s4 =	simm.s32 $0x14100  }
0x90: {  	[tilespmem:s4], [sflag:$0x2] =	stream.indirect_vreg.gather [hbm4b:s2+s3], $0x80, v3, vm0, $0xb8;
	[tilespmem:$0x1C100] =	vst v63  }
0x91: {  	s4 =	simm.s32 $0x14900  }
0x92: {  	[tilespmem:s4], [sflag:$0x2] =	stream.indirect_vreg.gather [hbm4b:s5+s3], $0x80, v3, vm0, $0xb8;
	[tilespmem:$0x1C100] =	vst v63  }
0x93: {  	s4 =	simm.s32 $0x15100  }
0x94: {  	[tilespmem:s4], [sflag:$0x2] =	stream.indirect_vreg.gather [hbm4b:s6+s3], $0x80, v3, vm0, $0xb8;
	[tilespmem:$0x1C100] =	vst v63  }
0x95: {  	s4 =	simm.s32 $0x15900  }
0x96: {  	[tilespmem:s4], [sflag:$0x2] =	stream.indirect_vreg.gather [hbm4b:s7+s3], $0x80, v3, vm0, $0xb8;
	[tilespmem:$0x1C100] =	vst v63  }
0x97: {  	v3 =	vld [tilespmem:$0x58];
	_ =	sdelay $0x4  }
0x98: {  	v52 =	vshll.u32 v3, $0x3  }
0x99: {  	v3 =	vand.u32 $0x7, v3;
	v4 =	vand.u32 $0xFFFFFFC0, v52  }
0x9a: {  	v3 =	vor.u32 v3, v4  }
0x9b: {  	v4 =	vperm.xlane v3, v0;
	_ =	sdelay $0x1  }
0x9c: {  	v4 =	vadd.s32 v1, v4;
	_ =	sdelay $0x3  }
0x9d: {  	s4 =	simm.s32 $0x16100  }
0x9e: {  	[tilespmem:s4], [sflag:$0x2] =	stream.indirect_vreg.gather [hbm4b:s2+s3], $0x80, v4, vm0, $0xb8;
	[tilespmem:$0x1C100] =	vst v63  }
0x9f: {  	v3 =	vperm.xlane v3, v2;
	s4 =	simm.s32 $0x16900  }
0xa0: {  	[tilespmem:s4], [sflag:$0x2] =	stream.indirect_vreg.gather [hbm4b:s5+s3], $0x80, v4, vm0, $0xb8;
	[tilespmem:$0x1C100] =	vst v63  }
0xa1: {  	v3 =	vadd.s32 v1, v3;
	s4 =	simm.s32 $0x17100  }
0xa2: {  	[tilespmem:s4], [sflag:$0x2] =	stream.indirect_vreg.gather [hbm4b:s6+s3], $0x80, v4, vm0, $0xb8;
	[tilespmem:$0x1C100] =	vst v63  }
0xa3: {  	s4 =	simm.s32 $0x17900  }
0xa4: {  	[tilespmem:s4], [sflag:$0x2] =	stream.indirect_vreg.gather [hbm4b:s7+s3], $0x80, v4, vm0, $0xb8;
	[tilespmem:$0x1C100] =	vst v63  }
0xa5: {  	s4 =	simm.s32 $0x18100  }
0xa6: {  	[tilespmem:s4], [sflag:$0x2] =	stream.indirect_vreg.gather [hbm4b:s2+s3], $0x80, v3, vm0, $0xb8;
	[tilespmem:$0x1C100] =	vst v63  }
0xa7: {  	s4 =	simm.s32 $0x18900  }
0xa8: {  	[tilespmem:s4], [sflag:$0x2] =	stream.indirect_vreg.gather [hbm4b:s5+s3], $0x80, v3, vm0, $0xb8;
	[tilespmem:$0x1C100] =	vst v63  }
0xa9: {  	s4 =	simm.s32 $0x19100  }
0xaa: {  	[tilespmem:s4], [sflag:$0x2] =	stream.indirect_vreg.gather [hbm4b:s6+s3], $0x80, v3, vm0, $0xb8;
	[tilespmem:$0x1C100] =	vst v63  }
0xab: {  	s4 =	simm.s32 $0x19900  }
0xac: {  	[tilespmem:s4], [sflag:$0x2] =	stream.indirect_vreg.gather [hbm4b:s7+s3], $0x80, v3, vm0, $0xb8;
	[tilespmem:$0x1C100] =	vst v63  }
0xad: {  	v3 =	vld.msk [tilespmem:$0x68], $0xff;
	_ =	sdelay $0x4  }
0xae: {  	v53 =	vshll.u32 v3, $0x3  }
0xaf: {  	v3 =	vand.u32 $0x7, v3;
	v4 =	vand.u32 $0xFFFFFFC0, v53  }
0xb0: {  	v3 =	vor.u32 v3, v4  }
0xb1: {  	v3 =	vperm.xlane v3, v0;
	_ =	sdelay $0x1  }
0xb2: {  	v3 =	vadd.s32 v1, v3;
	_ =	sdelay $0x3  }
0xb3: {  	s4 =	simm.s32 $0x1A100  }
0xb4: {  	[tilespmem:s4], [sflag:$0x2] =	stream.indirect_vreg.gather [hbm4b:s2+s3], $0x80, v3, vm0, $0xb8;
	[tilespmem:$0x1C100] =	vst v63  }
0xb5: {  	s4 =	simm.s32 $0x1A900  }
0xb6: {  	[tilespmem:s4], [sflag:$0x2] =	stream.indirect_vreg.gather [hbm4b:s5+s3], $0x80, v3, vm0, $0xb8;
	[tilespmem:$0x1C100] =	vst v63  }
0xb7: {  	s4 =	simm.s32 $0x1B100  }
0xb8: {  	[tilespmem:s4], [sflag:$0x2] =	stream.indirect_vreg.gather [hbm4b:s6+s3], $0x80, v3, vm0, $0xb8;
	[tilespmem:$0x1C100] =	vst v63  }
0xb9: {  	s4 =	simm.s32 $0x1B900  }
0xba: {  	[tilespmem:s4], [sflag:$0x2] =	stream.indirect_vreg.gather [hbm4b:s7+s3], $0x80, v3, vm0, $0xb8;
	[tilespmem:$0x1C100] =	vst v63  }
0xbb: {  	_ =	swait.ge [sflag:s1], $0xE000  }
0xbc: {  	[sflag:s1] =	ssyncset.done $0x0  }
0xbd: {  	s4 =	rddreg [dreg:$0xb];
	[sflag:s1] =	ssyncadd.s32 $0xFFFF2000  }
0xbe: {  	[hbm4b:s4+s3] =	stream.linear.scatter [tilespmem:s28], [sflag:$0x3], $0xE000, $0x38;
	[tilespmem:$0x1C100] =	vst v63  }
0xbf: {  	_ =	swait.ge [sflag:s26], $0xE000  }
0xc0: {  	[sflag:s26] =	ssyncset.done $0x0  }
0xc1: {  	[sflag:s26] =	ssyncadd.s32 $0xFFFF2000  }
0xc2: {  	v3 =	vld [tilespmem:$0x70];
	_ =	sdelay $0x4  }
0xc3: {  	v54 =	vshll.u32 v3, $0x3  }
0xc4: {  	v3 =	vand.u32 $0x7, v3;
	v4 =	vand.u32 $0xFFFFFFC0, v54  }
0xc5: {  	v3 =	vor.u32 v3, v4  }
0xc6: {  	v4 =	vperm.xlane v3, v0;
	_ =	sdelay $0x1  }
0xc7: {  	v4 =	vadd.s32 v1, v4;
	_ =	sdelay $0x4  }
0xc8: {  	[tilespmem:s28], [sflag:$0x1] =	stream.indirect_vreg.gather [hbm4b:s2+s3], $0x80, v4, vm0, $0xb8;
	[tilespmem:$0x1C100] =	vst v63  }
0xc9: {  	s4 =	simm.s32 $0x900;
	v3 =	vperm.xlane v3, v2  }
0xca: {  	[tilespmem:s4], [sflag:$0x1] =	stream.indirect_vreg.gather [hbm4b:s5+s3], $0x80, v4, vm0, $0xb8;
	[tilespmem:$0x1C100] =	vst v63  }
0xcb: {  	v3 =	vadd.s32 v1, v3;
	s4 =	simm.s32 $0x1100  }
0xcc: {  	[tilespmem:s4], [sflag:$0x1] =	stream.indirect_vreg.gather [hbm4b:s6+s3], $0x80, v4, vm0, $0xb8;
	[tilespmem:$0x1C100] =	vst v63  }
0xcd: {  	s4 =	simm.s32 $0x1900  }
0xce: {  	[tilespmem:s4], [sflag:$0x1] =	stream.indirect_vreg.gather [hbm4b:s7+s3], $0x80, v4, vm0, $0xb8;
	[tilespmem:$0x1C100] =	vst v63  }
0xcf: {  	s4 =	simm.s32 $0x2100  }
0xd0: {  	[tilespmem:s4], [sflag:$0x1] =	stream.indirect_vreg.gather [hbm4b:s2+s3], $0x80, v3, vm0, $0xb8;
	[tilespmem:$0x1C100] =	vst v63  }
0xd1: {  	s4 =	simm.s32 $0x2900  }
0xd2: {  	[tilespmem:s4], [sflag:$0x1] =	stream.indirect_vreg.gather [hbm4b:s5+s3], $0x80, v3, vm0, $0xb8;
	[tilespmem:$0x1C100] =	vst v63  }
0xd3: {  	s4 =	simm.s32 $0x3100  }
0xd4: {  	[tilespmem:s4], [sflag:$0x1] =	stream.indirect_vreg.gather [hbm4b:s6+s3], $0x80, v3, vm0, $0xb8;
	[tilespmem:$0x1C100] =	vst v63  }
0xd5: {  	s4 =	simm.s32 $0x3900  }
0xd6: {  	[tilespmem:s4], [sflag:$0x1] =	stream.indirect_vreg.gather [hbm4b:s7+s3], $0x80, v3, vm0, $0xb8;
	[tilespmem:$0x1C100] =	vst v63  }
0xd7: {  	v3 =	vld [tilespmem:$0x80];
	_ =	sdelay $0x4  }
0xd8: {  	v55 =	vshll.u32 v3, $0x3  }
0xd9: {  	v3 =	vand.u32 $0x7, v3;
	v4 =	vand.u32 $0xFFFFFFC0, v55  }
0xda: {  	v3 =	vor.u32 v3, v4  }
0xdb: {  	v4 =	vperm.xlane v3, v0;
	_ =	sdelay $0x1  }
0xdc: {  	v4 =	vadd.s32 v1, v4;
	_ =	sdelay $0x3  }
0xdd: {  	s4 =	simm.s32 $0x4100  }
0xde: {  	[tilespmem:s4], [sflag:$0x1] =	stream.indirect_vreg.gather [hbm4b:s2+s3], $0x80, v4, vm0, $0xb8;
	[tilespmem:$0x1C100] =	vst v63  }
0xdf: {  	v3 =	vperm.xlane v3, v2;
	s4 =	simm.s32 $0x4900  }
0xe0: {  	[tilespmem:s4], [sflag:$0x1] =	stream.indirect_vreg.gather [hbm4b:s5+s3], $0x80, v4, vm0, $0xb8;
	[tilespmem:$0x1C100] =	vst v63  }
0xe1: {  	v3 =	vadd.s32 v1, v3;
	s4 =	simm.s32 $0x5100  }
0xe2: {  	[tilespmem:s4], [sflag:$0x1] =	stream.indirect_vreg.gather [hbm4b:s6+s3], $0x80, v4, vm0, $0xb8;
	[tilespmem:$0x1C100] =	vst v63  }
0xe3: {  	s4 =	simm.s32 $0x5900  }
0xe4: {  	[tilespmem:s4], [sflag:$0x1] =	stream.indirect_vreg.gather [hbm4b:s7+s3], $0x80, v4, vm0, $0xb8;
	[tilespmem:$0x1C100] =	vst v63  }
0xe5: {  	s4 =	simm.s32 $0x6100  }
0xe6: {  	[tilespmem:s4], [sflag:$0x1] =	stream.indirect_vreg.gather [hbm4b:s2+s3], $0x80, v3, vm0, $0xb8;
	[tilespmem:$0x1C100] =	vst v63  }
0xe7: {  	s4 =	simm.s32 $0x6900  }
0xe8: {  	[tilespmem:s4], [sflag:$0x1] =	stream.indirect_vreg.gather [hbm4b:s5+s3], $0x80, v3, vm0, $0xb8;
	[tilespmem:$0x1C100] =	vst v63  }
0xe9: {  	s4 =	simm.s32 $0x7100  }
0xea: {  	[tilespmem:s4], [sflag:$0x1] =	stream.indirect_vreg.gather [hbm4b:s6+s3], $0x80, v3, vm0, $0xb8;
	[tilespmem:$0x1C100] =	vst v63  }
0xeb: {  	s4 =	simm.s32 $0x7900  }
0xec: {  	[tilespmem:s4], [sflag:$0x1] =	stream.indirect_vreg.gather [hbm4b:s7+s3], $0x80, v3, vm0, $0xb8;
	[tilespmem:$0x1C100] =	vst v63  }
0xed: {  	v3 =	vld [tilespmem:$0x90];
	_ =	sdelay $0x4  }
0xee: {  	v56 =	vshll.u32 v3, $0x3  }
0xef: {  	v3 =	vand.u32 $0x7, v3;
	v4 =	vand.u32 $0xFFFFFFC0, v56  }
0xf0: {  	v3 =	vor.u32 v3, v4  }
0xf1: {  	v4 =	vperm.xlane v3, v0;
	_ =	sdelay $0x1  }
0xf2: {  	v4 =	vadd.s32 v1, v4;
	_ =	sdelay $0x4  }
0xf3: {  	[tilespmem:s30], [sflag:$0x1] =	stream.indirect_vreg.gather [hbm4b:s2+s3], $0x80, v4, vm0, $0xb8;
	[tilespmem:$0x1C100] =	vst v63  }
0xf4: {  	v3 =	vperm.xlane v3, v2  }
0xf5: {  	[tilespmem:s31], [sflag:$0x1] =	stream.indirect_vreg.gather [hbm4b:s5+s3], $0x80, v4, vm0, $0xb8;
	[tilespmem:$0x1C100] =	vst v63  }
0xf6: {  	v3 =	vadd.s32 v1, v3  }
0xf7: {  	[tilespmem:s9], [sflag:$0x1] =	stream.indirect_vreg.gather [hbm4b:s6+s3], $0x80, v4, vm0, $0xb8;
	[tilespmem:$0x1C100] =	vst v63  }
0xf8: {  	_ = 	snop  }
0xf9: {  	[tilespmem:s11], [sflag:$0x1] =	stream.indirect_vreg.gather [hbm4b:s7+s3], $0x80, v4, vm0, $0xb8;
	[tilespmem:$0x1C100] =	vst v63  }
0xfa: {  	_ = 	snop  }
0xfb: {  	[tilespmem:s0], [sflag:$0x1] =	stream.indirect_vreg.gather [hbm4b:s2+s3], $0x80, v3, vm0, $0xb8;
	[tilespmem:$0x1C100] =	vst v63  }
0xfc: {  	_ = 	snop  }
0xfd: {  	[tilespmem:s10], [sflag:$0x1] =	stream.indirect_vreg.gather [hbm4b:s5+s3], $0x80, v3, vm0, $0xb8;
	[tilespmem:$0x1C100] =	vst v63  }
0xfe: {  	_ = 	snop  }
0xff: {  	[tilespmem:s12], [sflag:$0x1] =	stream.indirect_vreg.gather [hbm4b:s6+s3], $0x80, v3, vm0, $0xb8;
	[tilespmem:$0x1C100] =	vst v63  }
0x100: {  	_ = 	snop  }
0x101: {  	[tilespmem:s13], [sflag:$0x1] =	stream.indirect_vreg.gather [hbm4b:s7+s3], $0x80, v3, vm0, $0xb8;
	[tilespmem:$0x1C100] =	vst v63  }
0x102: {  	v3 =	vld.msk [tilespmem:$0xA0], $0xff;
	_ =	sdelay $0x4  }
0x103: {  	v57 =	vshll.u32 v3, $0x3  }
0x104: {  	v3 =	vand.u32 $0x7, v3;
	v4 =	vand.u32 $0xFFFFFFC0, v57  }
0x105: {  	v3 =	vor.u32 v3, v4  }
0x106: {  	v3 =	vperm.xlane v3, v0;
	_ =	sdelay $0x1  }
0x107: {  	v3 =	vadd.s32 v1, v3;
	_ =	sdelay $0x4  }
0x108: {  	[tilespmem:s14], [sflag:$0x1] =	stream.indirect_vreg.gather [hbm4b:s2+s3], $0x80, v3, vm0, $0xb8;
	[tilespmem:$0x1C100] =	vst v63  }
0x109: {  	_ = 	snop  }
0x10a: {  	[tilespmem:s15], [sflag:$0x1] =	stream.indirect_vreg.gather [hbm4b:s5+s3], $0x80, v3, vm0, $0xb8;
	[tilespmem:$0x1C100] =	vst v63  }
0x10b: {  	_ = 	snop  }
0x10c: {  	[tilespmem:s16], [sflag:$0x1] =	stream.indirect_vreg.gather [hbm4b:s6+s3], $0x80, v3, vm0, $0xb8;
	[tilespmem:$0x1C100] =	vst v63  }
0x10d: {  	s0 =	simm.s32 $0x2  }
0x10e: {  	[tilespmem:s17], [sflag:$0x1] =	stream.indirect_vreg.gather [hbm4b:s7+s3], $0x80, v3, vm0, $0xb8;
	[tilespmem:$0x1C100] =	vst v63  }
0x10f: {  	_ =	swait.ge [sflag:s0], $0xE000  }
0x110: {  	[sflag:s0] =	ssyncset.done $0x0  }
0x111: {  	s9 =	simm.s32 $0x4;
	s30 =	rddreg [dreg:$0x5];
	[sflag:s0] =	ssyncadd.s32 $0xFFFF2000  }
0x112: {  	[hbm4b:s30+s3] =	stream.linear.scatter [tilespmem:s18], [sflag:$0x4], $0xE000, $0x38;
	[tilespmem:$0x1C100] =	vst v63  }
0x113: {  	_ =	swait.ge [sflag:s9], $0xE000  }
0x114: {  	[sflag:s9] =	ssyncset.done $0x0  }
0x115: {  	[sflag:s9] =	ssyncadd.s32 $0xFFFF2000  }
0x116: {  	v3 =	vld [tilespmem:$0xA8];
	_ =	sdelay $0x4  }
0x117: {  	v58 =	vshll.u32 v3, $0x3  }
0x118: {  	v3 =	vand.u32 $0x7, v3;
	v4 =	vand.u32 $0xFFFFFFC0, v58  }
0x119: {  	v3 =	vor.u32 v3, v4  }
0x11a: {  	v4 =	vperm.xlane v3, v0;
	_ =	sdelay $0x1  }
0x11b: {  	v4 =	vadd.s32 v1, v4;
	_ =	sdelay $0x4  }
0x11c: {  	[tilespmem:s18], [sflag:$0x2] =	stream.indirect_vreg.gather [hbm4b:s2+s3], $0x80, v4, vm0, $0xb8;
	[tilespmem:$0x1C100] =	vst v63  }
0x11d: {  	v3 =	vperm.xlane v3, v2  }
0x11e: {  	[tilespmem:s19], [sflag:$0x2] =	stream.indirect_vreg.gather [hbm4b:s5+s3], $0x80, v4, vm0, $0xb8;
	[tilespmem:$0x1C100] =	vst v63  }
0x11f: {  	v3 =	vadd.s32 v1, v3  }
0x120: {  	[tilespmem:s20], [sflag:$0x2] =	stream.indirect_vreg.gather [hbm4b:s6+s3], $0x80, v4, vm0, $0xb8;
	[tilespmem:$0x1C100] =	vst v63  }
0x121: {  	_ = 	snop  }
0x122: {  	[tilespmem:s21], [sflag:$0x2] =	stream.indirect_vreg.gather [hbm4b:s7+s3], $0x80, v4, vm0, $0xb8;
	[tilespmem:$0x1C100] =	vst v63  }
0x123: {  	_ = 	snop  }
0x124: {  	[tilespmem:s22], [sflag:$0x2] =	stream.indirect_vreg.gather [hbm4b:s2+s3], $0x80, v3, vm0, $0xb8;
	[tilespmem:$0x1C100] =	vst v63  }
0x125: {  	_ = 	snop  }
0x126: {  	[tilespmem:s23], [sflag:$0x2] =	stream.indirect_vreg.gather [hbm4b:s5+s3], $0x80, v3, vm0, $0xb8;
	[tilespmem:$0x1C100] =	vst v63  }
0x127: {  	_ = 	snop  }
0x128: {  	[tilespmem:s24], [sflag:$0x2] =	stream.indirect_vreg.gather [hbm4b:s6+s3], $0x80, v3, vm0, $0xb8;
	[tilespmem:$0x1C100] =	vst v63  }
0x129: {  	_ = 	snop  }
0x12a: {  	[tilespmem:s25], [sflag:$0x2] =	stream.indirect_vreg.gather [hbm4b:s7+s3], $0x80, v3, vm0, $0xb8;
	[tilespmem:$0x1C100] =	vst v63  }
0x12b: {  	v3 =	vld [tilespmem:$0xB8];
	_ =	sdelay $0x4  }
0x12c: {  	v59 =	vshll.u32 v3, $0x3  }
0x12d: {  	v3 =	vand.u32 $0x7, v3;
	v4 =	vand.u32 $0xFFFFFFC0, v59  }
0x12e: {  	v3 =	vor.u32 v3, v4  }
0x12f: {  	v4 =	vperm.xlane v3, v0;
	_ =	sdelay $0x1  }
0x130: {  	v4 =	vadd.s32 v1, v4;
	_ =	sdelay $0x4  }
0x131: {  	[tilespmem:s29], [sflag:$0x2] =	stream.indirect_vreg.gather [hbm4b:s2+s3], $0x80, v4, vm0, $0xb8;
	[tilespmem:$0x1C100] =	vst v63  }
0x132: {  	s31 =	simm.s32 $0x12900;
	v3 =	vperm.xlane v3, v2  }
0x133: {  	[tilespmem:s31], [sflag:$0x2] =	stream.indirect_vreg.gather [hbm4b:s5+s3], $0x80, v4, vm0, $0xb8;
	[tilespmem:$0x1C100] =	vst v63  }
0x134: {  	s30 =	simm.s32 $0x13100;
	v3 =	vadd.s32 v1, v3  }
0x135: {  	[tilespmem:s30], [sflag:$0x2] =	stream.indirect_vreg.gather [hbm4b:s6+s3], $0x80, v4, vm0, $0xb8;
	[tilespmem:$0x1C100] =	vst v63  }
0x136: {  	s31 =	simm.s32 $0x13900  }
0x137: {  	[tilespmem:s31], [sflag:$0x2] =	stream.indirect_vreg.gather [hbm4b:s7+s3], $0x80, v4, vm0, $0xb8;
	[tilespmem:$0x1C100] =	vst v63  }
0x138: {  	s30 =	simm.s32 $0x14100  }
0x139: {  	[tilespmem:s30], [sflag:$0x2] =	stream.indirect_vreg.gather [hbm4b:s2+s3], $0x80, v3, vm0, $0xb8;
	[tilespmem:$0x1C100] =	vst v63  }
0x13a: {  	s31 =	simm.s32 $0x14900  }
0x13b: {  	[tilespmem:s31], [sflag:$0x2] =	stream.indirect_vreg.gather [hbm4b:s5+s3], $0x80, v3, vm0, $0xb8;
	[tilespmem:$0x1C100] =	vst v63  }
0x13c: {  	s30 =	simm.s32 $0x15100  }
0x13d: {  	[tilespmem:s30], [sflag:$0x2] =	stream.indirect_vreg.gather [hbm4b:s6+s3], $0x80, v3, vm0, $0xb8;
	[tilespmem:$0x1C100] =	vst v63  }
0x13e: {  	s31 =	simm.s32 $0x15900  }
0x13f: {  	[tilespmem:s31], [sflag:$0x2] =	stream.indirect_vreg.gather [hbm4b:s7+s3], $0x80, v3, vm0, $0xb8;
	[tilespmem:$0x1C100] =	vst v63  }
0x140: {  	v3 =	vld [tilespmem:$0xC8];
	_ =	sdelay $0x4  }
0x141: {  	v60 =	vshll.u32 v3, $0x3  }
0x142: {  	v3 =	vand.u32 $0x7, v3;
	v4 =	vand.u32 $0xFFFFFFC0, v60  }
0x143: {  	v3 =	vor.u32 v3, v4  }
0x144: {  	v4 =	vperm.xlane v3, v0;
	_ =	sdelay $0x1  }
0x145: {  	v4 =	vadd.s32 v1, v4;
	_ =	sdelay $0x3  }
0x146: {  	s30 =	simm.s32 $0x16100  }
0x147: {  	[tilespmem:s30], [sflag:$0x2] =	stream.indirect_vreg.gather [hbm4b:s2+s3], $0x80, v4, vm0, $0xb8;
	[tilespmem:$0x1C100] =	vst v63  }
0x148: {  	s31 =	simm.s32 $0x16900;
	v3 =	vperm.xlane v3, v2  }
0x149: {  	[tilespmem:s31], [sflag:$0x2] =	stream.indirect_vreg.gather [hbm4b:s5+s3], $0x80, v4, vm0, $0xb8;
	[tilespmem:$0x1C100] =	vst v63  }
0x14a: {  	v3 =	vadd.s32 v1, v3;
	s30 =	simm.s32 $0x17100  }
0x14b: {  	[tilespmem:s30], [sflag:$0x2] =	stream.indirect_vreg.gather [hbm4b:s6+s3], $0x80, v4, vm0, $0xb8;
	[tilespmem:$0x1C100] =	vst v63  }
0x14c: {  	s31 =	simm.s32 $0x17900  }
0x14d: {  	[tilespmem:s31], [sflag:$0x2] =	stream.indirect_vreg.gather [hbm4b:s7+s3], $0x80, v4, vm0, $0xb8;
	[tilespmem:$0x1C100] =	vst v63  }
0x14e: {  	s30 =	simm.s32 $0x18100  }
0x14f: {  	[tilespmem:s30], [sflag:$0x2] =	stream.indirect_vreg.gather [hbm4b:s2+s3], $0x80, v3, vm0, $0xb8;
	[tilespmem:$0x1C100] =	vst v63  }
0x150: {  	s31 =	simm.s32 $0x18900  }
0x151: {  	[tilespmem:s31], [sflag:$0x2] =	stream.indirect_vreg.gather [hbm4b:s5+s3], $0x80, v3, vm0, $0xb8;
	[tilespmem:$0x1C100] =	vst v63  }
0x152: {  	s30 =	simm.s32 $0x19100  }
0x153: {  	[tilespmem:s30], [sflag:$0x2] =	stream.indirect_vreg.gather [hbm4b:s6+s3], $0x80, v3, vm0, $0xb8;
	[tilespmem:$0x1C100] =	vst v63  }
0x154: {  	s31 =	simm.s32 $0x19900  }
0x155: {  	[tilespmem:s31], [sflag:$0x2] =	stream.indirect_vreg.gather [hbm4b:s7+s3], $0x80, v3, vm0, $0xb8;
	[tilespmem:$0x1C100] =	vst v63  }
0x156: {  	v3 =	vld.msk [tilespmem:$0xD8], $0xff;
	_ =	sdelay $0x4  }
0x157: {  	v61 =	vshll.u32 v3, $0x3  }
0x158: {  	v3 =	vand.u32 $0x7, v3;
	v4 =	vand.u32 $0xFFFFFFC0, v61  }
0x159: {  	v3 =	vor.u32 v3, v4  }
0x15a: {  	v3 =	vperm.xlane v3, v0;
	_ =	sdelay $0x1  }
0x15b: {  	v3 =	vadd.s32 v1, v3;
	_ =	sdelay $0x3  }
0x15c: {  	s30 =	simm.s32 $0x1A100  }
0x15d: {  	[tilespmem:s30], [sflag:$0x2] =	stream.indirect_vreg.gather [hbm4b:s2+s3], $0x80, v3, vm0, $0xb8;
	[tilespmem:$0x1C100] =	vst v63  }
0x15e: {  	s31 =	simm.s32 $0x1A900  }
0x15f: {  	[tilespmem:s31], [sflag:$0x2] =	stream.indirect_vreg.gather [hbm4b:s5+s3], $0x80, v3, vm0, $0xb8;
	[tilespmem:$0x1C100] =	vst v63  }
0x160: {  	s30 =	simm.s32 $0x1B100  }
0x161: {  	[tilespmem:s30], [sflag:$0x2] =	stream.indirect_vreg.gather [hbm4b:s6+s3], $0x80, v3, vm0, $0xb8;
	[tilespmem:$0x1C100] =	vst v63  }
0x162: {  	s31 =	simm.s32 $0x1B900  }
0x163: {  	[tilespmem:s31], [sflag:$0x2] =	stream.indirect_vreg.gather [hbm4b:s7+s3], $0x80, v3, vm0, $0xb8;
	[tilespmem:$0x1C100] =	vst v63  }
0x164: {  	_ =	swait.ge [sflag:s1], $0xE000  }
0x165: {  	[sflag:s1] =	ssyncset.done $0x0  }
0x166: {  	s30 =	rddreg [dreg:$0x6];
	[sflag:s1] =	ssyncadd.s32 $0xFFFF2000  }
0x167: {  	[hbm4b:s30+s3] =	stream.linear.scatter [tilespmem:s28], [sflag:$0x3], $0xE000, $0x38;
	[tilespmem:$0x1C100] =	vst v63  }
0x168: {  	_ =	swait.ge [sflag:s26], $0xE000  }
0x169: {  	[sflag:s26] =	ssyncset.done $0x0  }
0x16a: {  	[sflag:s26] =	ssyncadd.s32 $0xFFFF2000  }
0x16b: {  	v3 =	vld [tilespmem:$0xE0];
	_ =	sdelay $0x4  }
0x16c: {  	v62 =	vshll.u32 v3, $0x3  }
0x16d: {  	v3 =	vand.u32 $0x7, v3;
	v4 =	vand.u32 $0xFFFFFFC0, v62  }
0x16e: {  	v3 =	vor.u32 v3, v4  }
0x16f: {  	v4 =	vperm.xlane v3, v0;
	_ =	sdelay $0x1  }
0x170: {  	v4 =	vadd.s32 v1, v4;
	_ =	sdelay $0x4  }
0x171: {  	[tilespmem:s28], [sflag:$0x1] =	stream.indirect_vreg.gather [hbm4b:s2+s3], $0x80, v4, vm0, $0xb8;
	[tilespmem:$0x1C100] =	vst v63  }
0x172: {  	s31 =	simm.s32 $0x900;
	v3 =	vperm.xlane v3, v2  }
0x173: {  	[tilespmem:s31], [sflag:$0x1] =	stream.indirect_vreg.gather [hbm4b:s5+s3], $0x80, v4, vm0, $0xb8;
	[tilespmem:$0x1C100] =	vst v63  }
0x174: {  	s30 =	simm.s32 $0x1100;
	v3 =	vadd.s32 v1, v3  }
0x175: {  	[tilespmem:s30], [sflag:$0x1] =	stream.indirect_vreg.gather [hbm4b:s6+s3], $0x80, v4, vm0, $0xb8;
	[tilespmem:$0x1C100] =	vst v63  }
0x176: {  	s31 =	simm.s32 $0x1900  }
0x177: {  	[tilespmem:s31], [sflag:$0x1] =	stream.indirect_vreg.gather [hbm4b:s7+s3], $0x80, v4, vm0, $0xb8;
	[tilespmem:$0x1C100] =	vst v63  }
0x178: {  	s30 =	simm.s32 $0x2100  }
0x179: {  	[tilespmem:s30], [sflag:$0x1] =	stream.indirect_vreg.gather [hbm4b:s2+s3], $0x80, v3, vm0, $0xb8;
	[tilespmem:$0x1C100] =	vst v63  }
0x17a: {  	s31 =	simm.s32 $0x2900  }
0x17b: {  	[tilespmem:s31], [sflag:$0x1] =	stream.indirect_vreg.gather [hbm4b:s5+s3], $0x80, v3, vm0, $0xb8;
	[tilespmem:$0x1C100] =	vst v63  }
0x17c: {  	s30 =	simm.s32 $0x3100  }
0x17d: {  	[tilespmem:s30], [sflag:$0x1] =	stream.indirect_vreg.gather [hbm4b:s6+s3], $0x80, v3, vm0, $0xb8;
	[tilespmem:$0x1C100] =	vst v63  }
0x17e: {  	s31 =	simm.s32 $0x3900  }
0x17f: {  	[tilespmem:s31], [sflag:$0x1] =	stream.indirect_vreg.gather [hbm4b:s7+s3], $0x80, v3, vm0, $0xb8;
	[tilespmem:$0x1C100] =	vst v63  }
0x180: {  	v3 =	vld [tilespmem:$0xF0];
	_ =	sdelay $0x4  }
0x181: {  	v63 =	vshll.u32 v3, $0x3  }
0x182: {  	v3 =	vand.u32 $0x7, v3;
	v4 =	vand.u32 $0xFFFFFFC0, v63  }
0x183: {  	v3 =	vor.u32 v3, v4  }
0x184: {  	v4 =	vperm.xlane v3, v0;
	_ =	sdelay $0x1  }
0x185: {  	v4 =	vadd.s32 v1, v4;
	_ =	sdelay $0x3  }
0x186: {  	s30 =	simm.s32 $0x4100  }
0x187: {  	[tilespmem:s30], [sflag:$0x1] =	stream.indirect_vreg.gather [hbm4b:s2+s3], $0x80, v4, vm0, $0xb8;
	[tilespmem:$0x1C100] =	vst v63  }
0x188: {  	s31 =	simm.s32 $0x4900;
	v3 =	vperm.xlane v3, v2  }
0x189: {  	[tilespmem:s31], [sflag:$0x1] =	stream.indirect_vreg.gather [hbm4b:s5+s3], $0x80, v4, vm0, $0xb8;
	[tilespmem:$0x1C100] =	vst v63  }
0x18a: {  	v3 =	vadd.s32 v1, v3;
	s30 =	simm.s32 $0x5100  }
0x18b: {  	[tilespmem:s30], [sflag:$0x1] =	stream.indirect_vreg.gather [hbm4b:s6+s3], $0x80, v4, vm0, $0xb8;
	[tilespmem:$0x1C100] =	vst v63  }
0x18c: {  	s31 =	simm.s32 $0x5900  }
0x18d: {  	[tilespmem:s31], [sflag:$0x1] =	stream.indirect_vreg.gather [hbm4b:s7+s3], $0x80, v4, vm0, $0xb8;
	[tilespmem:$0x1C100] =	vst v63  }
0x18e: {  	s30 =	simm.s32 $0x6100  }
0x18f: {  	[tilespmem:s30], [sflag:$0x1] =	stream.indirect_vreg.gather [hbm4b:s2+s3], $0x80, v3, vm0, $0xb8;
	[tilespmem:$0x1C100] =	vst v63  }
0x190: {  	s31 =	simm.s32 $0x6900  }
0x191: {  	[tilespmem:s31], [sflag:$0x1] =	stream.indirect_vreg.gather [hbm4b:s5+s3], $0x80, v3, vm0, $0xb8;
	[tilespmem:$0x1C100] =	vst v63  }
0x192: {  	s30 =	simm.s32 $0x7100  }
0x193: {  	[tilespmem:s30], [sflag:$0x1] =	stream.indirect_vreg.gather [hbm4b:s6+s3], $0x80, v3, vm0, $0xb8;
	[tilespmem:$0x1C100] =	vst v63  }
0x194: {  	s31 =	simm.s32 $0x7900  }
0x195: {  	[tilespmem:s31], [sflag:$0x1] =	stream.indirect_vreg.gather [hbm4b:s7+s3], $0x80, v3, vm0, $0xb8;
	[tilespmem:$0x1C100] =	vst v63  }
0x196: {  	_ =	swait.ge [sflag:s0], $0xE000  }
0x197: {  	[sflag:s0] =	ssyncset.done $0x0  }
0x198: {  	s30 =	rddreg [dreg:$0x7];
	[sflag:s0] =	ssyncadd.s32 $0xFFFF2000  }
0x199: {  	[hbm4b:s30+s3] =	stream.linear.scatter [tilespmem:s18], [sflag:$0x4], $0xE000, $0x38;
	[tilespmem:$0x1C100] =	vst v63  }
0x19a: {  	_ =	swait.ge [sflag:s1], $0x8000  }
0x19b: {  	[sflag:s1] =	ssyncset.done $0x0  }
0x19c: {  	s31 =	rddreg [dreg:$0x8];
	[sflag:s1] =	ssyncadd.s32 $0xFFFF8000  }
0x19d: {  	[hbm4b:s31+s3] =	stream.linear.scatter [tilespmem:s28], [sflag:$0x3], $0x8000, $0x38;
	[tilespmem:$0x1C100] =	vst v63  }
0x19e: {  	p0 =	sne.s32 s8, $0x1;
	_ =	swait.ge [sflag:s9], $0xE000  }
.Ltmp0:
0x19f: {  	[sflag:s9] =	ssyncset.done $0x0;
	(pc) =	sbr.rel @p0 .LBB2_1-.Ltmp0, $4  }
0x1a0: {  	[sflag:s9] =	ssyncadd.s32 $0xFFFF2000  }
0x1a1: {  	_ =	swait.ge [sflag:s26], $0x8000  }
0x1a2: {  	[sflag:s26] =	ssyncset.done $0x0  }
0x1a3: {  	s8 =	sadd.s32 $0xFFFFFFFF, s8;
	[sflag:s26] =	ssyncadd.s32 $0xFFFF8000  }
0x1a4: {  	_ =	sfence.sel $0x180000  }
0x1a5: {  	[bflag:$0x0] =	sbarrier.arrive $0xFFFF  }
0x1a6: {  	_ =	strace $0x90000047  }
0x1a7: {  	s0 =	stileid.u32;
	[bflag:$0x2] =	sbarrier.arrive $0xFFFF  }
0x1a8: {  	p0 =	sne.s32 s0, $0x0;
	s0 =	rddreg [dreg:$0x3]  }
0x1a9: {  	s0 =	sadd.s32 @!p0 $0x100000, s0  }
0x1aa: {  	[sflag:s0] =	ssyncadd.tile.s32 @!p0 $0x1;
	_ =	shalt  }
.Lfunc_end2:
_tile_overlayer_lowered:
.L_overlay_start_2:
0x1ab: {  	(tag) =	ssettag $0x2  }
0x1ac: {  	s0 =	rddreg [dreg:$0x0];
	s2 =	stileid.u32  }
0x1ad: {  	s1 =	rddreg [dreg:$0x1];
	p0 =	sne.s32 s2, $0x0  }
0x1ae: {  	s3 =	rddreg [dreg:$0x2];
	[bflag:$0x3] =	sbarrier.arrive $0xFFFF;
	s2 =	simm.s32 @!p0 $0x1C05  }
0x1af: {  	[timem:s3], [sflag:s2] =	dma.local @!p0 [hbm:s0], s1  }
0x1b0: {  	s0 =	simm.s32 @!p0 $0x5  }
0x1b1: {  	_ =	swait.ge @!p0 [sflag:s0], s1  }
0x1b2: {  	s1 =	ssub.s32 @!p0 $0x0, s1;
	[sflag:s0] =	ssyncset.done @!p0 $0x0  }
0x1b3: {  	[sflag:s0] =	ssyncadd.s32 @!p0 s1  }
0x1b4: {  	[bflag:$0x3] =	sbarrier.arrive $0xFFFF  }
0x1b5: {  	_ =	shalt  }

</sc_bundles>
